<compile_context>
chip_gen: v7x
topology: tpu7x:2x2x1
jax: 0.10.2.dev20260603
libtpu: 0.0.44.dev20260713+nightly
codegen_flags: <defaults>
</compile_context>

<pallas_src>
import functools

import jax
import jax.numpy as jnp
from jax import lax
from jax.experimental import pallas as pl
from jax.experimental.pallas import tpu as pltpu
from jax.experimental.pallas import tpu_sc as plsc

D_GRP = 8
N_CODES = 512
M_BLK = 512
QU_BLK = 1024


def _pq_onehot(g, cbt_m2, c2, rows):
    s = jax.lax.dot_general(
        g, cbt_m2, (((1,), (0,)), ((), ())),
        preferred_element_type=jnp.float32,
    )
    g2 = jnp.sum(g * g, axis=1, keepdims=True)
    d2 = g2 + s + c2
    sel = jnp.argmin(d2, axis=1).astype(jnp.int32)[:, None]
    ii = lax.broadcasted_iota(jnp.int32, (rows, N_CODES), 1)
    return (ii == sel).astype(jnp.float32)


def _dequant(oh, cb):
    return jax.lax.dot_general(
        oh, cb, (((1,), (0,)), ((), ())),
        preferred_element_type=jnp.float32,
    )


def _quantize_u_body(u_ref, rs_ref, cbt_ref, cb_ref, c2_ref, out_ref):
    rs = rs_ref[...]
    g_all = u_ref[...] / rs
    cbt, cb, c2 = cbt_ref[...], cb_ref[...], c2_ref[...]
    deqs = []
    for j in range(32 // D_GRP):
        g = g_all[:, D_GRP * j:D_GRP * (j + 1)]
        oh = _pq_onehot(g, cbt, c2, QU_BLK)
        deqs.append(_dequant(oh, cb))
    uq = jnp.concatenate(deqs, axis=1) * rs
    out_ref[...] = jnp.pad(uq, ((0, 0), (0, 96)))


def _quantize_u(u, rs_u, cbt_m2, cb, c2):
    n = u.shape[0]
    return pl.pallas_call(
        _quantize_u_body,
        grid=(n // QU_BLK,),
        in_specs=[
            pl.BlockSpec((QU_BLK, 32), lambda i: (i, 0)),
            pl.BlockSpec((QU_BLK, 1), lambda i: (i, 0)),
            pl.BlockSpec(cbt_m2.shape, lambda i: (0, 0)),
            pl.BlockSpec(cb.shape, lambda i: (0, 0)),
            pl.BlockSpec(c2.shape, lambda i: (0, 0)),
        ],
        out_specs=pl.BlockSpec((QU_BLK, 128), lambda i: (i, 0)),
        out_shape=jax.ShapeDtypeStruct((n, 128), jnp.float32),
    )(u, rs_u, cbt_m2, cb, c2)


def _sc_gather(table, idx):
    n_chunks, chunk = idx.shape
    n_ids = n_chunks * chunk
    d = table.shape[1]
    info = plsc.get_sparse_core_info()
    nw = info.num_cores * info.num_subcores
    c_per_w = n_chunks // nw
    b_per_w = c_per_w * chunk
    mesh = plsc.VectorSubcoreMesh(core_axis_name="c", subcore_axis_name="s")

    @functools.partial(
        pl.kernel,
        mesh=mesh,
        out_type=jax.ShapeDtypeStruct((n_ids, d), jnp.float32),
        scratch_types=[
            pltpu.VMEM((c_per_w, chunk), jnp.int32),
            pltpu.VMEM((b_per_w, d), jnp.float32),
            pltpu.SemaphoreType.DMA,
        ],
    )
    def k(table_hbm, idx_hbm, out_hbm, idx_v, rows_v, sem):
        wid = lax.axis_index("s") * info.num_cores + lax.axis_index("c")
        pltpu.sync_copy(idx_hbm.at[pl.ds(wid * c_per_w, c_per_w)], idx_v)
        copies = [
            pltpu.async_copy(
                table_hbm.at[idx_v.at[j]],
                rows_v.at[pl.ds(j * chunk, chunk)], sem)
            for j in range(c_per_w)
        ]
        for c in copies:
            c.wait()
        pltpu.sync_copy(rows_v, out_hbm.at[pl.ds(wid * b_per_w, b_per_w)])

    return k(table, idx)


def _quantize_b_body(b_ref, rs_ref, cbt_ref, cb_ref, c2_ref, out_ref):
    g_all = b_ref[...] / rs_ref[...]
    cbt, cb, c2 = cbt_ref[...], cb_ref[...], c2_ref[...]
    rows = g_all.shape[0]
    deqs = []
    for j in range(128 // D_GRP):
        g = g_all[:, D_GRP * j:D_GRP * (j + 1)]
        oh = _pq_onehot(g, cbt, c2, rows)
        deqs.append(_dequant(oh, cb))
    out_ref[...] = jnp.concatenate(deqs, axis=1) * rs_ref[...]


def _quantize_b(b2d, rs_rep, cbt_m2, cb, c2):
    n, w = b2d.shape
    return pl.pallas_call(
        _quantize_b_body,
        out_shape=jax.ShapeDtypeStruct((n, w), jnp.float32),
    )(b2d, rs_rep, cbt_m2, cb, c2)


def _matmul_body(k, a_ref, b_ref, out_ref):
    out_ref[...] = jax.lax.dot_general(
        a_ref[...][:, :k], b_ref[...], (((1,), (0,)), ((), ())),
        preferred_element_type=jnp.float32,
    )


def _matmul(a, b):
    m, k_pad = a.shape
    k, n = b.shape
    return pl.pallas_call(
        functools.partial(_matmul_body, k),
        grid=(m // M_BLK,),
        in_specs=[
            pl.BlockSpec((M_BLK, k_pad), lambda i: (i, 0)),
            pl.BlockSpec((k, n), lambda i: (0, 0)),
        ],
        out_specs=pl.BlockSpec((M_BLK, n), lambda i: (i, 0)),
        out_shape=jax.ShapeDtypeStruct((m, n), jnp.float32),
    )(a, b)


def kernel(local_ids, U, B, rs_U, rs_B, codebook):
    o_u, i_u = U.shape
    o_b, i_b = B.shape
    cbt_m2 = codebook.T * -2.0
    c2 = (codebook * codebook).sum(-1)[None, :]

    table = _quantize_u(U, rs_U, cbt_m2, codebook, c2)

    ids2d = local_ids.astype(jnp.int32).reshape(-1, 128)
    uq_rows = _sc_gather(table, ids2d)

    b2d = B.reshape(-1, 128)
    rs_rep = jnp.repeat(rs_B, i_b // 128, axis=0)
    bq = _quantize_b(b2d, rs_rep, cbt_m2, codebook, c2).reshape(o_b, i_b)

    return _matmul(uq_rows, bq)

# --- scband reference (transcript-rebuilt; emitter-appended) ---
"""Pipeline reference for scband-pqhot-shared-33938831573580 (READ-ONLY COPY).

The authoritative reference and input builder live on the scoring server;
editing this copy changes nothing except your own understanding.
"""

import jax, jax.numpy as jnp
import numpy as np

D_GROUP = 8


def pq_quantize(W, cb, rs, D):
    O, I = W.shape
    g = (W / rs).reshape(O * (I // D), D)
    # squared euclidean distances via expansion (matches torch.cdist argmin)
    d2 = (g * g).sum(-1, keepdims=True) - 2.0 * (g @ cb.T) + (cb * cb).sum(-1)[None, :]
    idx = jnp.argmin(d2, axis=-1)
    deq = cb[idx].reshape(O, I) * rs
    # straight-through estimator: forward uses dequantized weights
    return W + jax.lax.stop_gradient(deq - W)


def setup_inputs(seed: int = 0) -> dict:
    key = jax.random.key(seed)
    k1, k2, k3, k4 = jax.random.split(key, 4)
    U = jax.random.normal(k1, (8192, 32), dtype=jnp.float32) * 0.02
    B = jax.random.normal(k2, (32, 4096), dtype=jnp.float32) * 0.02
    codebook = jax.random.normal(k3, (512, 8), dtype=jnp.float32) * 0.02
    rs_U = jnp.clip(jnp.abs(U).max(axis=1, keepdims=True), 1e-06, None)
    rs_B = jnp.clip(jnp.abs(B).max(axis=1, keepdims=True), 1e-06, None)
    local_ids = jax.random.randint(k4, (16384,), 0, 8192, dtype=jnp.int64 if jax.config.jax_enable_x64 else jnp.int32)
    return {"local_ids": local_ids, "U": U, "B": B, "rs_U": rs_U, "rs_B": rs_B, "codebook": codebook}


def reference(local_ids, U, B, rs_U, rs_B, codebook):
    # PQHotShared.row(local_ids): Uq[local_ids] @ Bq
    Uq = pq_quantize(U, codebook, rs_U, D_GROUP)
    Bq = pq_quantize(B, codebook, rs_B, D_GROUP)
    return Uq[local_ids] @ Bq

if __name__ == "__main__":
    import jax
    _d = setup_inputs()
    print(jax.jit(kernel)(*tuple(_d.values())))

</pallas_src>

<mosaic_0001>
#map = affine_map<(d0, d1) -> (0, 0)>
module attributes {stable_mosaic.version = 14 : i64} {
  func.func @k(%arg0: i32, %arg1: i32, %arg2: memref<8192x128xf32, #tpu.memory_space<hbm>>, %arg3: memref<128x128xi32, #tpu.memory_space<hbm>>, %arg4: memref<16384x128xf32, #tpu.memory_space<hbm>>, %arg5: memref<4x128xi32, #tpu.memory_space<vmem>>, %arg6: memref<512x128xf32, #tpu.memory_space<vmem>>, %arg7: memref<!tpu.dma_semaphore, #tpu.memory_space<semaphore_mem>>) attributes {dimension_semantics = [#tpu.dimension_semantics<core_parallel>, #tpu.dimension_semantics<subcore_parallel>], iteration_bounds = array<i64: 2, 16>, scalar_prefetch = 0 : i64, scratch_operands = 3 : i64, tpu.core_type = #tpu.core_type<sc_vector_subcore>, window_params = [{transform_indices = #map}, {transform_indices = #map}, {transform_indices = #map}]} {
    %mul3A = arith.constant 2 : i32
    %mul3A_0 = arith.muli %arg1, %mul3A : i32
    %add3A = arith.addi %mul3A_0, %arg0 : i32
    %mul3A_1 = arith.constant 4 : i32
    %mul3A_2 = arith.muli %add3A, %mul3A_1 : i32
    "tpu.region"() ({
      %run_scoped3A = tpu.sem_alloc : memref<!tpu.dma_semaphore, #tpu.memory_space<semaphore_mem>>
      %dma_start3A_83 = arith.constant 0 : i32
      %dma_start3A_84 = tpu.memref_slice %arg3[%mul3A_2, %dma_start3A_83] : memref<128x128xi32, #tpu.memory_space<hbm>> -> memref<4x128xi32, #tpu.memory_space<hbm>>
      %dma_start3A_85 = arith.constant 0 : i32
      %dma_start3A_86 = tpu.memref_slice %arg3[%mul3A_2, %dma_start3A_85] : memref<128x128xi32, #tpu.memory_space<hbm>> -> memref<4x128xi32, #tpu.memory_space<hbm>>
      tpu.enqueue_dma source(%dma_start3A_86 : memref<4x128xi32, #tpu.memory_space<hbm>>) target(%arg5 : memref<4x128xi32, #tpu.memory_space<vmem>>) target_semaphore(%run_scoped3A : memref<!tpu.dma_semaphore, #tpu.memory_space<semaphore_mem>>)
      %dma_wait3A_87 = arith.constant 0 : i32
      %dma_wait3A_88 = tpu.memref_slice %arg3[%mul3A_2, %dma_wait3A_87] : memref<128x128xi32, #tpu.memory_space<hbm>> -> memref<4x128xi32, #tpu.memory_space<hbm>>
      %dma_wait3A_89 = arith.constant 0 : i32
      %dma_wait3A_90 = tpu.memref_slice %arg3[%mul3A_2, %dma_wait3A_89] : memref<128x128xi32, #tpu.memory_space<hbm>> -> memref<4x128xi32, #tpu.memory_space<hbm>>
      tpu.wait_dma2 semaphore(%run_scoped3A : memref<!tpu.dma_semaphore, #tpu.memory_space<semaphore_mem>>) src(%dma_wait3A_90 : memref<4x128xi32, #tpu.memory_space<hbm>>) dst(%arg5 : memref<4x128xi32, #tpu.memory_space<vmem>>)
      tpu.yield
    }) : () -> ()
    %dma_start3A = arith.constant 0 : i32
    %dma_start3A_3 = arith.constant 0 : i32
    %dma_start3A_4 = arith.constant 0 : i32
    %dma_start3A_5 = tpu.memref_slice %arg6[%dma_start3A_3, %dma_start3A_4] : memref<512x128xf32, #tpu.memory_space<vmem>> -> memref<128x128xf32, #tpu.memory_space<vmem>>
    %dma_start3A_6 = arith.constant 0 : i32
    %dma_start3A_7 = tpu.memref_slice %arg5[%dma_start3A, %dma_start3A_6] : memref<4x128xi32, #tpu.memory_space<vmem>> -> memref<1x128xi32, #tpu.memory_space<vmem>>
    %dma_start3A_8 = tpu.memref_squeeze %dma_start3A_7 : memref<1x128xi32, #tpu.memory_space<vmem>> -> memref<128xi32, #tpu.memory_space<vmem>>
    %dma_start3A_9 = arith.constant 0 : i32
    %dma_start3A_10 = arith.constant 0 : i32
    %dma_start3A_11 = tpu.memref_slice %arg2[%dma_start3A_9, %dma_start3A_10] : memref<8192x128xf32, #tpu.memory_space<hbm>> -> memref<8192x128xf32, #tpu.memory_space<hbm>>
    tpu.enqueue_indirect_dma source(%dma_start3A_11 : memref<8192x128xf32, #tpu.memory_space<hbm>>) target(%dma_start3A_5 : memref<128x128xf32, #tpu.memory_space<vmem>>) offsets(%dma_start3A_8 : memref<128xi32, #tpu.memory_space<vmem>>) semaphore(%arg7 : memref<!tpu.dma_semaphore, #tpu.memory_space<semaphore_mem>>)
    %dma_start3A_12 = arith.constant 1 : i32
    %dma_start3A_13 = arith.constant 128 : i32
    %dma_start3A_14 = arith.constant 0 : i32
    %dma_start3A_15 = tpu.memref_slice %arg6[%dma_start3A_13, %dma_start3A_14] : memref<512x128xf32, #tpu.memory_space<vmem>> -> memref<128x128xf32, #tpu.memory_space<vmem>>
    %dma_start3A_16 = arith.constant 0 : i32
    %dma_start3A_17 = tpu.memref_slice %arg5[%dma_start3A_12, %dma_start3A_16] : memref<4x128xi32, #tpu.memory_space<vmem>> -> memref<1x128xi32, #tpu.memory_space<vmem>>
    %dma_start3A_18 = tpu.memref_squeeze %dma_start3A_17 : memref<1x128xi32, #tpu.memory_space<vmem>> -> memref<128xi32, #tpu.memory_space<vmem>>
    %dma_start3A_19 = arith.constant 0 : i32
    %dma_start3A_20 = arith.constant 0 : i32
    %dma_start3A_21 = tpu.memref_slice %arg2[%dma_start3A_19, %dma_start3A_20] : memref<8192x128xf32, #tpu.memory_space<hbm>> -> memref<8192x128xf32, #tpu.memory_space<hbm>>
    tpu.enqueue_indirect_dma source(%dma_start3A_21 : memref<8192x128xf32, #tpu.memory_space<hbm>>) target(%dma_start3A_15 : memref<128x128xf32, #tpu.memory_space<vmem>>) offsets(%dma_start3A_18 : memref<128xi32, #tpu.memory_space<vmem>>) semaphore(%arg7 : memref<!tpu.dma_semaphore, #tpu.memory_space<semaphore_mem>>)
    %dma_start3A_22 = arith.constant 2 : i32
    %dma_start3A_23 = arith.constant 256 : i32
    %dma_start3A_24 = arith.constant 0 : i32
    %dma_start3A_25 = tpu.memref_slice %arg6[%dma_start3A_23, %dma_start3A_24] : memref<512x128xf32, #tpu.memory_space<vmem>> -> memref<128x128xf32, #tpu.memory_space<vmem>>
    %dma_start3A_26 = arith.constant 0 : i32
    %dma_start3A_27 = tpu.memref_slice %arg5[%dma_start3A_22, %dma_start3A_26] : memref<4x128xi32, #tpu.memory_space<vmem>> -> memref<1x128xi32, #tpu.memory_space<vmem>>
    %dma_start3A_28 = tpu.memref_squeeze %dma_start3A_27 : memref<1x128xi32, #tpu.memory_space<vmem>> -> memref<128xi32, #tpu.memory_space<vmem>>
    %dma_start3A_29 = arith.constant 0 : i32
    %dma_start3A_30 = arith.constant 0 : i32
    %dma_start3A_31 = tpu.memref_slice %arg2[%dma_start3A_29, %dma_start3A_30] : memref<8192x128xf32, #tpu.memory_space<hbm>> -> memref<8192x128xf32, #tpu.memory_space<hbm>>
    tpu.enqueue_indirect_dma source(%dma_start3A_31 : memref<8192x128xf32, #tpu.memory_space<hbm>>) target(%dma_start3A_25 : memref<128x128xf32, #tpu.memory_space<vmem>>) offsets(%dma_start3A_28 : memref<128xi32, #tpu.memory_space<vmem>>) semaphore(%arg7 : memref<!tpu.dma_semaphore, #tpu.memory_space<semaphore_mem>>)
    %dma_start3A_32 = arith.constant 3 : i32
    %dma_start3A_33 = arith.constant 384 : i32
    %dma_start3A_34 = arith.constant 0 : i32
    %dma_start3A_35 = tpu.memref_slice %arg6[%dma_start3A_33, %dma_start3A_34] : memref<512x128xf32, #tpu.memory_space<vmem>> -> memref<128x128xf32, #tpu.memory_space<vmem>>
    %dma_start3A_36 = arith.constant 0 : i32
    %dma_start3A_37 = tpu.memref_slice %arg5[%dma_start3A_32, %dma_start3A_36] : memref<4x128xi32, #tpu.memory_space<vmem>> -> memref<1x128xi32, #tpu.memory_space<vmem>>
    %dma_start3A_38 = tpu.memref_squeeze %dma_start3A_37 : memref<1x128xi32, #tpu.memory_space<vmem>> -> memref<128xi32, #tpu.memory_space<vmem>>
    %dma_start3A_39 = arith.constant 0 : i32
    %dma_start3A_40 = arith.constant 0 : i32
    %dma_start3A_41 = tpu.memref_slice %arg2[%dma_start3A_39, %dma_start3A_40] : memref<8192x128xf32, #tpu.memory_space<hbm>> -> memref<8192x128xf32, #tpu.memory_space<hbm>>
    tpu.enqueue_indirect_dma source(%dma_start3A_41 : memref<8192x128xf32, #tpu.memory_space<hbm>>) target(%dma_start3A_35 : memref<128x128xf32, #tpu.memory_space<vmem>>) offsets(%dma_start3A_38 : memref<128xi32, #tpu.memory_space<vmem>>) semaphore(%arg7 : memref<!tpu.dma_semaphore, #tpu.memory_space<semaphore_mem>>)
    %dma_wait3A = arith.constant 0 : i32
    %dma_wait3A_42 = arith.constant 0 : i32
    %dma_wait3A_43 = arith.constant 0 : i32
    %dma_wait3A_44 = tpu.memref_slice %arg6[%dma_wait3A_42, %dma_wait3A_43] : memref<512x128xf32, #tpu.memory_space<vmem>> -> memref<128x128xf32, #tpu.memory_space<vmem>>
    %dma_wait3A_45 = arith.constant 0 : i32
    %dma_wait3A_46 = tpu.memref_slice %arg5[%dma_wait3A, %dma_wait3A_45] : memref<4x128xi32, #tpu.memory_space<vmem>> -> memref<1x128xi32, #tpu.memory_space<vmem>>
    %dma_wait3A_47 = tpu.memref_squeeze %dma_wait3A_46 : memref<1x128xi32, #tpu.memory_space<vmem>> -> memref<128xi32, #tpu.memory_space<vmem>>
    %dma_wait3A_48 = arith.constant 0 : i32
    %dma_wait3A_49 = arith.constant 0 : i32
    %dma_wait3A_50 = tpu.memref_slice %arg2[%dma_wait3A_48, %dma_wait3A_49] : memref<8192x128xf32, #tpu.memory_space<hbm>> -> memref<8192x128xf32, #tpu.memory_space<hbm>>
    tpu.wait_indirect_dma semaphore(%arg7 : memref<!tpu.dma_semaphore, #tpu.memory_space<semaphore_mem>>) src(%dma_wait3A_50 : memref<8192x128xf32, #tpu.memory_space<hbm>>) dst(%dma_wait3A_44 : memref<128x128xf32, #tpu.memory_space<vmem>>)
    %dma_wait3A_51 = arith.constant 1 : i32
    %dma_wait3A_52 = arith.constant 128 : i32
    %dma_wait3A_53 = arith.constant 0 : i32
    %dma_wait3A_54 = tpu.memref_slice %arg6[%dma_wait3A_52, %dma_wait3A_53] : memref<512x128xf32, #tpu.memory_space<vmem>> -> memref<128x128xf32, #tpu.memory_space<vmem>>
    %dma_wait3A_55 = arith.constant 0 : i32
    %dma_wait3A_56 = tpu.memref_slice %arg5[%dma_wait3A_51, %dma_wait3A_55] : memref<4x128xi32, #tpu.memory_space<vmem>> -> memref<1x128xi32, #tpu.memory_space<vmem>>
    %dma_wait3A_57 = tpu.memref_squeeze %dma_wait3A_56 : memref<1x128xi32, #tpu.memory_space<vmem>> -> memref<128xi32, #tpu.memory_space<vmem>>
    %dma_wait3A_58 = arith.constant 0 : i32
    %dma_wait3A_59 = arith.constant 0 : i32
    %dma_wait3A_60 = tpu.memref_slice %arg2[%dma_wait3A_58, %dma_wait3A_59] : memref<8192x128xf32, #tpu.memory_space<hbm>> -> memref<8192x128xf32, #tpu.memory_space<hbm>>
    tpu.wait_indirect_dma semaphore(%arg7 : memref<!tpu.dma_semaphore, #tpu.memory_space<semaphore_mem>>) src(%dma_wait3A_60 : memref<8192x128xf32, #tpu.memory_space<hbm>>) dst(%dma_wait3A_54 : memref<128x128xf32, #tpu.memory_space<vmem>>)
    %dma_wait3A_61 = arith.constant 2 : i32
    %dma_wait3A_62 = arith.constant 256 : i32
    %dma_wait3A_63 = arith.constant 0 : i32
    %dma_wait3A_64 = tpu.memref_slice %arg6[%dma_wait3A_62, %dma_wait3A_63] : memref<512x128xf32, #tpu.memory_space<vmem>> -> memref<128x128xf32, #tpu.memory_space<vmem>>
    %dma_wait3A_65 = arith.constant 0 : i32
    %dma_wait3A_66 = tpu.memref_slice %arg5[%dma_wait3A_61, %dma_wait3A_65] : memref<4x128xi32, #tpu.memory_space<vmem>> -> memref<1x128xi32, #tpu.memory_space<vmem>>
    %dma_wait3A_67 = tpu.memref_squeeze %dma_wait3A_66 : memref<1x128xi32, #tpu.memory_space<vmem>> -> memref<128xi32, #tpu.memory_space<vmem>>
    %dma_wait3A_68 = arith.constant 0 : i32
    %dma_wait3A_69 = arith.constant 0 : i32
    %dma_wait3A_70 = tpu.memref_slice %arg2[%dma_wait3A_68, %dma_wait3A_69] : memref<8192x128xf32, #tpu.memory_space<hbm>> -> memref<8192x128xf32, #tpu.memory_space<hbm>>
    tpu.wait_indirect_dma semaphore(%arg7 : memref<!tpu.dma_semaphore, #tpu.memory_space<semaphore_mem>>) src(%dma_wait3A_70 : memref<8192x128xf32, #tpu.memory_space<hbm>>) dst(%dma_wait3A_64 : memref<128x128xf32, #tpu.memory_space<vmem>>)
    %dma_wait3A_71 = arith.constant 3 : i32
    %dma_wait3A_72 = arith.constant 384 : i32
    %dma_wait3A_73 = arith.constant 0 : i32
    %dma_wait3A_74 = tpu.memref_slice %arg6[%dma_wait3A_72, %dma_wait3A_73] : memref<512x128xf32, #tpu.memory_space<vmem>> -> memref<128x128xf32, #tpu.memory_space<vmem>>
    %dma_wait3A_75 = arith.constant 0 : i32
    %dma_wait3A_76 = tpu.memref_slice %arg5[%dma_wait3A_71, %dma_wait3A_75] : memref<4x128xi32, #tpu.memory_space<vmem>> -> memref<1x128xi32, #tpu.memory_space<vmem>>
    %dma_wait3A_77 = tpu.memref_squeeze %dma_wait3A_76 : memref<1x128xi32, #tpu.memory_space<vmem>> -> memref<128xi32, #tpu.memory_space<vmem>>
    %dma_wait3A_78 = arith.constant 0 : i32
    %dma_wait3A_79 = arith.constant 0 : i32
    %dma_wait3A_80 = tpu.memref_slice %arg2[%dma_wait3A_78, %dma_wait3A_79] : memref<8192x128xf32, #tpu.memory_space<hbm>> -> memref<8192x128xf32, #tpu.memory_space<hbm>>
    tpu.wait_indirect_dma semaphore(%arg7 : memref<!tpu.dma_semaphore, #tpu.memory_space<semaphore_mem>>) src(%dma_wait3A_80 : memref<8192x128xf32, #tpu.memory_space<hbm>>) dst(%dma_wait3A_74 : memref<128x128xf32, #tpu.memory_space<vmem>>)
    %mul3A_81 = arith.constant 512 : i32
    %mul3A_82 = arith.muli %add3A, %mul3A_81 : i32
    "tpu.region"() ({
      %run_scoped3A = tpu.sem_alloc : memref<!tpu.dma_semaphore, #tpu.memory_space<semaphore_mem>>
      %dma_start3A_83 = arith.constant 0 : i32
      %dma_start3A_84 = tpu.memref_slice %arg4[%mul3A_82, %dma_start3A_83] : memref<16384x128xf32, #tpu.memory_space<hbm>> -> memref<512x128xf32, #tpu.memory_space<hbm>>
      %dma_start3A_85 = arith.constant 0 : i32
      %dma_start3A_86 = tpu.memref_slice %arg4[%mul3A_82, %dma_start3A_85] : memref<16384x128xf32, #tpu.memory_space<hbm>> -> memref<512x128xf32, #tpu.memory_space<hbm>>
      tpu.enqueue_dma source(%arg6 : memref<512x128xf32, #tpu.memory_space<vmem>>) target(%dma_start3A_86 : memref<512x128xf32, #tpu.memory_space<hbm>>) target_semaphore(%run_scoped3A : memref<!tpu.dma_semaphore, #tpu.memory_space<semaphore_mem>>)
      %dma_wait3A_87 = arith.constant 0 : i32
      %dma_wait3A_88 = tpu.memref_slice %arg4[%mul3A_82, %dma_wait3A_87] : memref<16384x128xf32, #tpu.memory_space<hbm>> -> memref<512x128xf32, #tpu.memory_space<hbm>>
      %dma_wait3A_89 = arith.constant 0 : i32
      %dma_wait3A_90 = tpu.memref_slice %arg4[%mul3A_82, %dma_wait3A_89] : memref<16384x128xf32, #tpu.memory_space<hbm>> -> memref<512x128xf32, #tpu.memory_space<hbm>>
      tpu.wait_dma2 semaphore(%run_scoped3A : memref<!tpu.dma_semaphore, #tpu.memory_space<semaphore_mem>>) src(%arg6 : memref<512x128xf32, #tpu.memory_space<vmem>>) dst(%dma_wait3A_90 : memref<512x128xf32, #tpu.memory_space<hbm>>)
      tpu.yield
    }) : () -> ()
    return
  }
}

module attributes {stable_mosaic.version = 14 : i64} {
  func.func @_quantize_u_body(%arg0: i32, %arg1: memref<1024x32xf32, #tpu.memory_space<vmem>>, %arg2: memref<1024x1xf32, #tpu.memory_space<vmem>>, %arg3: memref<8x512xf32, #tpu.memory_space<vmem>>, %arg4: memref<512x8xf32, #tpu.memory_space<vmem>>, %arg5: memref<1x512xf32, #tpu.memory_space<vmem>>, %arg6: memref<1024x128xf32, #tpu.memory_space<vmem>>) attributes {dimension_semantics = [#tpu.dimension_semantics<arbitrary>], iteration_bounds = array<i64: 8>, scalar_prefetch = 0 : i64, scratch_operands = 0 : i64, tpu.core_type = #tpu.core_type<tc>, window_params = [{transform_indices = @transform_0, window_bounds = array<i64: 1024, 32>}, {transform_indices = @transform_1, window_bounds = array<i64: 1024, 1>}, {pipeline_mode = #tpu.pipeline_mode<synchronous>, transform_indices = @transform_2, window_bounds = array<i64: 8, 512>}, {pipeline_mode = #tpu.pipeline_mode<synchronous>, transform_indices = @transform_3, window_bounds = array<i64: 512, 8>}, {pipeline_mode = #tpu.pipeline_mode<synchronous>, transform_indices = @transform_4, window_bounds = array<i64: 1, 512>}, {transform_indices = @transform_5, window_bounds = array<i64: 1024, 128>}]} {
    %get3A = arith.constant 0 : index
    %get3A_0 = arith.constant 0 : index
    %get3A_1 = vector.load %arg2[%get3A, %get3A_0] : memref<1024x1xf32, #tpu.memory_space<vmem>>, vector<1024x1xf32>
    %get3A_2 = arith.constant 0 : index
    %get3A_3 = arith.constant 0 : index
    %get3A_4 = vector.load %arg1[%get3A_2, %get3A_3] : memref<1024x32xf32, #tpu.memory_space<vmem>>, vector<1024x32xf32>
    %div3A = vector.broadcast %get3A_1 : vector<1024x1xf32> to vector<1024x32xf32>
    %div3A_5 = arith.divf %get3A_4, %div3A : vector<1024x32xf32>
    %get3A_6 = arith.constant 0 : index
    %get3A_7 = arith.constant 0 : index
    %get3A_8 = vector.load %arg3[%get3A_6, %get3A_7] : memref<8x512xf32, #tpu.memory_space<vmem>>, vector<8x512xf32>
    %get3A_9 = arith.constant 0 : index
    %get3A_10 = arith.constant 0 : index
    %get3A_11 = vector.load %arg4[%get3A_9, %get3A_10] : memref<512x8xf32, #tpu.memory_space<vmem>>, vector<512x8xf32>
    %get3A_12 = arith.constant 0 : index
    %get3A_13 = arith.constant 0 : index
    %get3A_14 = vector.load %arg5[%get3A_12, %get3A_13] : memref<1x512xf32, #tpu.memory_space<vmem>>, vector<1x512xf32>
    %slice3A = vector.extract_strided_slice %div3A_5 {offsets = [0, 0], sizes = [1024, 8], strides = [1, 1]} : vector<1024x32xf32> to vector<1024x8xf32>
    %dot_general3A = arith.constant dense<0.000000e+00> : vector<1024x512xf32>
    %dot_general3A_15 = tpu.matmul %slice3A, %get3A_8, %dot_general3A {dimension_numbers = #tpu.dot_dimension_numbers<[1], [0], [0], [1], [0, 0, 1, 1], [], []>, transpose_lhs_hint = false} : vector<1024x8xf32>, vector<8x512xf32>, vector<1024x512xf32> -> vector<1024x512xf32>
    %mul3A = arith.mulf %slice3A, %slice3A : vector<1024x8xf32>
    %reduce_sum3A = arith.constant dense<0.000000e+00> : vector<1024xf32>
    %reduce_sum3A_16 = vector.multi_reduction <add>, %mul3A, %reduce_sum3A [1] : vector<1024x8xf32> to vector<1024xf32>
    %broadcast_in_dim3A = vector.shape_cast %reduce_sum3A_16 : vector<1024xf32> to vector<1024x1xf32>
    %add3A = vector.broadcast %broadcast_in_dim3A : vector<1024x1xf32> to vector<1024x512xf32>
    %add3A_17 = arith.addf %add3A, %dot_general3A_15 : vector<1024x512xf32>
    %add3A_18 = vector.broadcast %get3A_14 : vector<1x512xf32> to vector<1024x512xf32>
    %add3A_19 = arith.addf %add3A_17, %add3A_18 : vector<1024x512xf32>
    %argmin3A = tpu.reduce_index %add3A_19 {axis = 1 : i32, kind = #tpu.reduction_kind<arg_min>} : vector<1024x512xf32> -> vector<1024xi32>
    %broadcast_in_dim3A_20 = vector.shape_cast %argmin3A : vector<1024xi32> to vector<1024x1xi32>
    %iota3A = tpu.iota {dimensions = array<i32: 1>} : vector<1024x512xi32>
    %eq3A = vector.broadcast %broadcast_in_dim3A_20 : vector<1024x1xi32> to vector<1024x512xi32>
    %eq3A_21 = arith.cmpi eq, %iota3A, %eq3A : vector<1024x512xi32>
    %convert_element_type3A = arith.extui %eq3A_21 : vector<1024x512xi1> to vector<1024x512xi32>
    %convert_element_type3A_22 = arith.sitofp %convert_element_type3A : vector<1024x512xi32> to vector<1024x512xf32>
    %dot_general3A_23 = arith.constant dense<0.000000e+00> : vector<1024x8xf32>
    %dot_general3A_24 = tpu.matmul %convert_element_type3A_22, %get3A_11, %dot_general3A_23 {dimension_numbers = #tpu.dot_dimension_numbers<[1], [0], [0], [1], [0, 0, 1, 1], [], []>, transpose_lhs_hint = false} : vector<1024x512xf32>, vector<512x8xf32>, vector<1024x8xf32> -> vector<1024x8xf32>
    %slice3A_25 = vector.extract_strided_slice %div3A_5 {offsets = [0, 8], sizes = [1024, 8], strides = [1, 1]} : vector<1024x32xf32> to vector<1024x8xf32>
    %dot_general3A_26 = arith.constant dense<0.000000e+00> : vector<1024x512xf32>
    %dot_general3A_27 = tpu.matmul %slice3A_25, %get3A_8, %dot_general3A_26 {dimension_numbers = #tpu.dot_dimension_numbers<[1], [0], [0], [1], [0, 0, 1, 1], [], []>, transpose_lhs_hint = false} : vector<1024x8xf32>, vector<8x512xf32>, vector<1024x512xf32> -> vector<1024x512xf32>
    %mul3A_28 = arith.mulf %slice3A_25, %slice3A_25 : vector<1024x8xf32>
    %reduce_sum3A_29 = arith.constant dense<0.000000e+00> : vector<1024xf32>
    %reduce_sum3A_30 = vector.multi_reduction <add>, %mul3A_28, %reduce_sum3A_29 [1] : vector<1024x8xf32> to vector<1024xf32>
    %broadcast_in_dim3A_31 = vector.shape_cast %reduce_sum3A_30 : vector<1024xf32> to vector<1024x1xf32>
    %add3A_32 = vector.broadcast %broadcast_in_dim3A_31 : vector<1024x1xf32> to vector<1024x512xf32>
    %add3A_33 = arith.addf %add3A_32, %dot_general3A_27 : vector<1024x512xf32>
    %add3A_34 = vector.broadcast %get3A_14 : vector<1x512xf32> to vector<1024x512xf32>
    %add3A_35 = arith.addf %add3A_33, %add3A_34 : vector<1024x512xf32>
    %argmin3A_36 = tpu.reduce_index %add3A_35 {axis = 1 : i32, kind = #tpu.reduction_kind<arg_min>} : vector<1024x512xf32> -> vector<1024xi32>
    %broadcast_in_dim3A_37 = vector.shape_cast %argmin3A_36 : vector<1024xi32> to vector<1024x1xi32>
    %iota3A_38 = tpu.iota {dimensions = array<i32: 1>} : vector<1024x512xi32>
    %eq3A_39 = vector.broadcast %broadcast_in_dim3A_37 : vector<1024x1xi32> to vector<1024x512xi32>
    %eq3A_40 = arith.cmpi eq, %iota3A_38, %eq3A_39 : vector<1024x512xi32>
    %convert_element_type3A_41 = arith.extui %eq3A_40 : vector<1024x512xi1> to vector<1024x512xi32>
    %convert_element_type3A_42 = arith.sitofp %convert_element_type3A_41 : vector<1024x512xi32> to vector<1024x512xf32>
    %dot_general3A_43 = arith.constant dense<0.000000e+00> : vector<1024x8xf32>
    %dot_general3A_44 = tpu.matmul %convert_element_type3A_42, %get3A_11, %dot_general3A_43 {dimension_numbers = #tpu.dot_dimension_numbers<[1], [0], [0], [1], [0, 0, 1, 1], [], []>, transpose_lhs_hint = false} : vector<1024x512xf32>, vector<512x8xf32>, vector<1024x8xf32> -> vector<1024x8xf32>
    %slice3A_45 = vector.extract_strided_slice %div3A_5 {offsets = [0, 16], sizes = [1024, 8], strides = [1, 1]} : vector<1024x32xf32> to vector<1024x8xf32>
    %dot_general3A_46 = arith.constant dense<0.000000e+00> : vector<1024x512xf32>
    %dot_general3A_47 = tpu.matmul %slice3A_45, %get3A_8, %dot_general3A_46 {dimension_numbers = #tpu.dot_dimension_numbers<[1], [0], [0], [1], [0, 0, 1, 1], [], []>, transpose_lhs_hint = false} : vector<1024x8xf32>, vector<8x512xf32>, vector<1024x512xf32> -> vector<1024x512xf32>
    %mul3A_48 = arith.mulf %slice3A_45, %slice3A_45 : vector<1024x8xf32>
    %reduce_sum3A_49 = arith.constant dense<0.000000e+00> : vector<1024xf32>
    %reduce_sum3A_50 = vector.multi_reduction <add>, %mul3A_48, %reduce_sum3A_49 [1] : vector<1024x8xf32> to vector<1024xf32>
    %broadcast_in_dim3A_51 = vector.shape_cast %reduce_sum3A_50 : vector<1024xf32> to vector<1024x1xf32>
    %add3A_52 = vector.broadcast %broadcast_in_dim3A_51 : vector<1024x1xf32> to vector<1024x512xf32>
    %add3A_53 = arith.addf %add3A_52, %dot_general3A_47 : vector<1024x512xf32>
    %add3A_54 = vector.broadcast %get3A_14 : vector<1x512xf32> to vector<1024x512xf32>
    %add3A_55 = arith.addf %add3A_53, %add3A_54 : vector<1024x512xf32>
    %argmin3A_56 = tpu.reduce_index %add3A_55 {axis = 1 : i32, kind = #tpu.reduction_kind<arg_min>} : vector<1024x512xf32> -> vector<1024xi32>
    %broadcast_in_dim3A_57 = vector.shape_cast %argmin3A_56 : vector<1024xi32> to vector<1024x1xi32>
    %iota3A_58 = tpu.iota {dimensions = array<i32: 1>} : vector<1024x512xi32>
    %eq3A_59 = vector.broadcast %broadcast_in_dim3A_57 : vector<1024x1xi32> to vector<1024x512xi32>
    %eq3A_60 = arith.cmpi eq, %iota3A_58, %eq3A_59 : vector<1024x512xi32>
    %convert_element_type3A_61 = arith.extui %eq3A_60 : vector<1024x512xi1> to vector<1024x512xi32>
    %convert_element_type3A_62 = arith.sitofp %convert_element_type3A_61 : vector<1024x512xi32> to vector<1024x512xf32>
    %dot_general3A_63 = arith.constant dense<0.000000e+00> : vector<1024x8xf32>
    %dot_general3A_64 = tpu.matmul %convert_element_type3A_62, %get3A_11, %dot_general3A_63 {dimension_numbers = #tpu.dot_dimension_numbers<[1], [0], [0], [1], [0, 0, 1, 1], [], []>, transpose_lhs_hint = false} : vector<1024x512xf32>, vector<512x8xf32>, vector<1024x8xf32> -> vector<1024x8xf32>
    %slice3A_65 = vector.extract_strided_slice %div3A_5 {offsets = [0, 24], sizes = [1024, 8], strides = [1, 1]} : vector<1024x32xf32> to vector<1024x8xf32>
    %dot_general3A_66 = arith.constant dense<0.000000e+00> : vector<1024x512xf32>
    %dot_general3A_67 = tpu.matmul %slice3A_65, %get3A_8, %dot_general3A_66 {dimension_numbers = #tpu.dot_dimension_numbers<[1], [0], [0], [1], [0, 0, 1, 1], [], []>, transpose_lhs_hint = false} : vector<1024x8xf32>, vector<8x512xf32>, vector<1024x512xf32> -> vector<1024x512xf32>
    %mul3A_68 = arith.mulf %slice3A_65, %slice3A_65 : vector<1024x8xf32>
    %reduce_sum3A_69 = arith.constant dense<0.000000e+00> : vector<1024xf32>
    %reduce_sum3A_70 = vector.multi_reduction <add>, %mul3A_68, %reduce_sum3A_69 [1] : vector<1024x8xf32> to vector<1024xf32>
    %broadcast_in_dim3A_71 = vector.shape_cast %reduce_sum3A_70 : vector<1024xf32> to vector<1024x1xf32>
    %add3A_72 = vector.broadcast %broadcast_in_dim3A_71 : vector<1024x1xf32> to vector<1024x512xf32>
    %add3A_73 = arith.addf %add3A_72, %dot_general3A_67 : vector<1024x512xf32>
    %add3A_74 = vector.broadcast %get3A_14 : vector<1x512xf32> to vector<1024x512xf32>
    %add3A_75 = arith.addf %add3A_73, %add3A_74 : vector<1024x512xf32>
    %argmin3A_76 = tpu.reduce_index %add3A_75 {axis = 1 : i32, kind = #tpu.reduction_kind<arg_min>} : vector<1024x512xf32> -> vector<1024xi32>
    %broadcast_in_dim3A_77 = vector.shape_cast %argmin3A_76 : vector<1024xi32> to vector<1024x1xi32>
    %iota3A_78 = tpu.iota {dimensions = array<i32: 1>} : vector<1024x512xi32>
    %eq3A_79 = vector.broadcast %broadcast_in_dim3A_77 : vector<1024x1xi32> to vector<1024x512xi32>
    %eq3A_80 = arith.cmpi eq, %iota3A_78, %eq3A_79 : vector<1024x512xi32>
    %convert_element_type3A_81 = arith.extui %eq3A_80 : vector<1024x512xi1> to vector<1024x512xi32>
    %convert_element_type3A_82 = arith.sitofp %convert_element_type3A_81 : vector<1024x512xi32> to vector<1024x512xf32>
    %dot_general3A_83 = arith.constant dense<0.000000e+00> : vector<1024x8xf32>
    %dot_general3A_84 = tpu.matmul %convert_element_type3A_82, %get3A_11, %dot_general3A_83 {dimension_numbers = #tpu.dot_dimension_numbers<[1], [0], [0], [1], [0, 0, 1, 1], [], []>, transpose_lhs_hint = false} : vector<1024x512xf32>, vector<512x8xf32>, vector<1024x8xf32> -> vector<1024x8xf32>
    %concatenate3A = tpu.concatenate %dot_general3A_24, %dot_general3A_44, %dot_general3A_64, %dot_general3A_84 in 1 : vector<1024x8xf32>, vector<1024x8xf32>, vector<1024x8xf32>, vector<1024x8xf32> -> vector<1024x32xf32>
    %mul3A_85 = vector.broadcast %get3A_1 : vector<1024x1xf32> to vector<1024x32xf32>
    %mul3A_86 = arith.mulf %concatenate3A, %mul3A_85 : vector<1024x32xf32>
    %jit3A = arith.constant 0 : i32
    %convert_element_type3A_87 = arith.sitofp %jit3A : i32 to f32
    %pad3A = vector.broadcast %convert_element_type3A_87 : f32 to vector<1024x96xf32>
    %pad3A_88 = tpu.concatenate %mul3A_86, %pad3A in 1 : vector<1024x32xf32>, vector<1024x96xf32> -> vector<1024x128xf32>
    %swap3A = arith.constant 0 : index
    %swap3A_89 = arith.constant 0 : index
    %swap3A_90 = vector.load %arg6[%swap3A, %swap3A_89] : memref<1024x128xf32, #tpu.memory_space<vmem>>, vector<1024x128xf32>
    tpu.vector_store %arg6[%swap3A, %swap3A_89], %pad3A_88 {strides = array<i32>} : memref<1024x128xf32, #tpu.memory_space<vmem>>, vector<1024x128xf32>,
    return
  }
  func.func @transform_0(%arg0: i32) -> (i32, i32) {
    %c0_i32 = arith.constant 0 : i32
    %c0_i32_0 = arith.constant 0 : i32
    return %arg0, %c0_i32 : i32, i32
  }
  func.func @transform_1(%arg0: i32) -> (i32, i32) {
    %c0_i32 = arith.constant 0 : i32
    %c0_i32_0 = arith.constant 0 : i32
    return %arg0, %c0_i32 : i32, i32
  }
  func.func @transform_2(%arg0: i32) -> (i32, i32) {
    %c0_i32 = arith.constant 0 : i32
    %c0_i32_0 = arith.constant 0 : i32
    %c0_i32_1 = arith.constant 0 : i32
    return %c0_i32, %c0_i32_0 : i32, i32
  }
  func.func @transform_3(%arg0: i32) -> (i32, i32) {
    %c0_i32 = arith.constant 0 : i32
    %c0_i32_0 = arith.constant 0 : i32
    %c0_i32_1 = arith.constant 0 : i32
    return %c0_i32, %c0_i32_0 : i32, i32
  }
  func.func @transform_4(%arg0: i32) -> (i32, i32) {
    %c0_i32 = arith.constant 0 : i32
    %c0_i32_0 = arith.constant 0 : i32
    %c0_i32_1 = arith.constant 0 : i32
    return %c0_i32, %c0_i32_0 : i32, i32
  }
  func.func @transform_5(%arg0: i32) -> (i32, i32) {
    %c0_i32 = arith.constant 0 : i32
    %c0_i32_0 = arith.constant 0 : i32
    return %arg0, %c0_i32 : i32, i32
  }
}

module attributes {stable_mosaic.version = 14 : i64} {
  func.func @_quantize_b_body(%arg0: memref<1024x128xf32, #tpu.memory_space<vmem>>, %arg1: memref<1024x1xf32, #tpu.memory_space<vmem>>, %arg2: memref<8x512xf32, #tpu.memory_space<vmem>>, %arg3: memref<512x8xf32, #tpu.memory_space<vmem>>, %arg4: memref<1x512xf32, #tpu.memory_space<vmem>>, %arg5: memref<1024x128xf32, #tpu.memory_space<vmem>>) attributes {dimension_semantics = [], scalar_prefetch = 0 : i64, scratch_operands = 0 : i64, tpu.core_type = #tpu.core_type<tc>} {
    %get3A = arith.constant 0 : index
    %get3A_0 = arith.constant 0 : index
    %get3A_1 = vector.load %arg0[%get3A, %get3A_0] : memref<1024x128xf32, #tpu.memory_space<vmem>>, vector<1024x128xf32>
    %get3A_2 = arith.constant 0 : index
    %get3A_3 = arith.constant 0 : index
    %get3A_4 = vector.load %arg1[%get3A_2, %get3A_3] : memref<1024x1xf32, #tpu.memory_space<vmem>>, vector<1024x1xf32>
    %div3A = vector.broadcast %get3A_4 : vector<1024x1xf32> to vector<1024x128xf32>
    %div3A_5 = arith.divf %get3A_1, %div3A : vector<1024x128xf32>
    %get3A_6 = arith.constant 0 : index
    %get3A_7 = arith.constant 0 : index
    %get3A_8 = vector.load %arg2[%get3A_6, %get3A_7] : memref<8x512xf32, #tpu.memory_space<vmem>>, vector<8x512xf32>
    %get3A_9 = arith.constant 0 : index
    %get3A_10 = arith.constant 0 : index
    %get3A_11 = vector.load %arg3[%get3A_9, %get3A_10] : memref<512x8xf32, #tpu.memory_space<vmem>>, vector<512x8xf32>
    %get3A_12 = arith.constant 0 : index
    %get3A_13 = arith.constant 0 : index
    %get3A_14 = vector.load %arg4[%get3A_12, %get3A_13] : memref<1x512xf32, #tpu.memory_space<vmem>>, vector<1x512xf32>
    %slice3A = vector.extract_strided_slice %div3A_5 {offsets = [0, 0], sizes = [1024, 8], strides = [1, 1]} : vector<1024x128xf32> to vector<1024x8xf32>
    %dot_general3A = arith.constant dense<0.000000e+00> : vector<1024x512xf32>
    %dot_general3A_15 = tpu.matmul %slice3A, %get3A_8, %dot_general3A {dimension_numbers = #tpu.dot_dimension_numbers<[1], [0], [0], [1], [0, 0, 1, 1], [], []>, transpose_lhs_hint = false} : vector<1024x8xf32>, vector<8x512xf32>, vector<1024x512xf32> -> vector<1024x512xf32>
    %mul3A = arith.mulf %slice3A, %slice3A : vector<1024x8xf32>
    %reduce_sum3A = arith.constant dense<0.000000e+00> : vector<1024xf32>
    %reduce_sum3A_16 = vector.multi_reduction <add>, %mul3A, %reduce_sum3A [1] : vector<1024x8xf32> to vector<1024xf32>
    %broadcast_in_dim3A = vector.shape_cast %reduce_sum3A_16 : vector<1024xf32> to vector<1024x1xf32>
    %add3A = vector.broadcast %broadcast_in_dim3A : vector<1024x1xf32> to vector<1024x512xf32>
    %add3A_17 = arith.addf %add3A, %dot_general3A_15 : vector<1024x512xf32>
    %add3A_18 = vector.broadcast %get3A_14 : vector<1x512xf32> to vector<1024x512xf32>
    %add3A_19 = arith.addf %add3A_17, %add3A_18 : vector<1024x512xf32>
    %argmin3A = tpu.reduce_index %add3A_19 {axis = 1 : i32, kind = #tpu.reduction_kind<arg_min>} : vector<1024x512xf32> -> vector<1024xi32>
    %broadcast_in_dim3A_20 = vector.shape_cast %argmin3A : vector<1024xi32> to vector<1024x1xi32>
    %iota3A = tpu.iota {dimensions = array<i32: 1>} : vector<1024x512xi32>
    %eq3A = vector.broadcast %broadcast_in_dim3A_20 : vector<1024x1xi32> to vector<1024x512xi32>
    %eq3A_21 = arith.cmpi eq, %iota3A, %eq3A : vector<1024x512xi32>
    %convert_element_type3A = arith.extui %eq3A_21 : vector<1024x512xi1> to vector<1024x512xi32>
    %convert_element_type3A_22 = arith.sitofp %convert_element_type3A : vector<1024x512xi32> to vector<1024x512xf32>
    %dot_general3A_23 = arith.constant dense<0.000000e+00> : vector<1024x8xf32>
    %dot_general3A_24 = tpu.matmul %convert_element_type3A_22, %get3A_11, %dot_general3A_23 {dimension_numbers = #tpu.dot_dimension_numbers<[1], [0], [0], [1], [0, 0, 1, 1], [], []>, transpose_lhs_hint = false} : vector<1024x512xf32>, vector<512x8xf32>, vector<1024x8xf32> -> vector<1024x8xf32>
    %slice3A_25 = vector.extract_strided_slice %div3A_5 {offsets = [0, 8], sizes = [1024, 8], strides = [1, 1]} : vector<1024x128xf32> to vector<1024x8xf32>
    %dot_general3A_26 = arith.constant dense<0.000000e+00> : vector<1024x512xf32>
    %dot_general3A_27 = tpu.matmul %slice3A_25, %get3A_8, %dot_general3A_26 {dimension_numbers = #tpu.dot_dimension_numbers<[1], [0], [0], [1], [0, 0, 1, 1], [], []>, transpose_lhs_hint = false} : vector<1024x8xf32>, vector<8x512xf32>, vector<1024x512xf32> -> vector<1024x512xf32>
    %mul3A_28 = arith.mulf %slice3A_25, %slice3A_25 : vector<1024x8xf32>
    %reduce_sum3A_29 = arith.constant dense<0.000000e+00> : vector<1024xf32>
    %reduce_sum3A_30 = vector.multi_reduction <add>, %mul3A_28, %reduce_sum3A_29 [1] : vector<1024x8xf32> to vector<1024xf32>
    %broadcast_in_dim3A_31 = vector.shape_cast %reduce_sum3A_30 : vector<1024xf32> to vector<1024x1xf32>
    %add3A_32 = vector.broadcast %broadcast_in_dim3A_31 : vector<1024x1xf32> to vector<1024x512xf32>
    %add3A_33 = arith.addf %add3A_32, %dot_general3A_27 : vector<1024x512xf32>
    %add3A_34 = vector.broadcast %get3A_14 : vector<1x512xf32> to vector<1024x512xf32>
    %add3A_35 = arith.addf %add3A_33, %add3A_34 : vector<1024x512xf32>
    %argmin3A_36 = tpu.reduce_index %add3A_35 {axis = 1 : i32, kind = #tpu.reduction_kind<arg_min>} : vector<1024x512xf32> -> vector<1024xi32>
    %broadcast_in_dim3A_37 = vector.shape_cast %argmin3A_36 : vector<1024xi32> to vector<1024x1xi32>
    %iota3A_38 = tpu.iota {dimensions = array<i32: 1>} : vector<1024x512xi32>
    %eq3A_39 = vector.broadcast %broadcast_in_dim3A_37 : vector<1024x1xi32> to vector<1024x512xi32>
    %eq3A_40 = arith.cmpi eq, %iota3A_38, %eq3A_39 : vector<1024x512xi32>
    %convert_element_type3A_41 = arith.extui %eq3A_40 : vector<1024x512xi1> to vector<1024x512xi32>
    %convert_element_type3A_42 = arith.sitofp %convert_element_type3A_41 : vector<1024x512xi32> to vector<1024x512xf32>
    %dot_general3A_43 = arith.constant dense<0.000000e+00> : vector<1024x8xf32>
    %dot_general3A_44 = tpu.matmul %convert_element_type3A_42, %get3A_11, %dot_general3A_43 {dimension_numbers = #tpu.dot_dimension_numbers<[1], [0], [0], [1], [0, 0, 1, 1], [], []>, transpose_lhs_hint = false} : vector<1024x512xf32>, vector<512x8xf32>, vector<1024x8xf32> -> vector<1024x8xf32>
    %slice3A_45 = vector.extract_strided_slice %div3A_5 {offsets = [0, 16], sizes = [1024, 8], strides = [1, 1]} : vector<1024x128xf32> to vector<1024x8xf32>
    %dot_general3A_46 = arith.constant dense<0.000000e+00> : vector<1024x512xf32>
    %dot_general3A_47 = tpu.matmul %slice3A_45, %get3A_8, %dot_general3A_46 {dimension_numbers = #tpu.dot_dimension_numbers<[1], [0], [0], [1], [0, 0, 1, 1], [], []>, transpose_lhs_hint = false} : vector<1024x8xf32>, vector<8x512xf32>, vector<1024x512xf32> -> vector<1024x512xf32>
    %mul3A_48 = arith.mulf %slice3A_45, %slice3A_45 : vector<1024x8xf32>
    %reduce_sum3A_49 = arith.constant dense<0.000000e+00> : vector<1024xf32>
    %reduce_sum3A_50 = vector.multi_reduction <add>, %mul3A_48, %reduce_sum3A_49 [1] : vector<1024x8xf32> to vector<1024xf32>
    %broadcast_in_dim3A_51 = vector.shape_cast %reduce_sum3A_50 : vector<1024xf32> to vector<1024x1xf32>
    %add3A_52 = vector.broadcast %broadcast_in_dim3A_51 : vector<1024x1xf32> to vector<1024x512xf32>
    %add3A_53 = arith.addf %add3A_52, %dot_general3A_47 : vector<1024x512xf32>
    %add3A_54 = vector.broadcast %get3A_14 : vector<1x512xf32> to vector<1024x512xf32>
    %add3A_55 = arith.addf %add3A_53, %add3A_54 : vector<1024x512xf32>
    %argmin3A_56 = tpu.reduce_index %add3A_55 {axis = 1 : i32, kind = #tpu.reduction_kind<arg_min>} : vector<1024x512xf32> -> vector<1024xi32>
    %broadcast_in_dim3A_57 = vector.shape_cast %argmin3A_56 : vector<1024xi32> to vector<1024x1xi32>
    %iota3A_58 = tpu.iota {dimensions = array<i32: 1>} : vector<1024x512xi32>
    %eq3A_59 = vector.broadcast %broadcast_in_dim3A_57 : vector<1024x1xi32> to vector<1024x512xi32>
    %eq3A_60 = arith.cmpi eq, %iota3A_58, %eq3A_59 : vector<1024x512xi32>
    %convert_element_type3A_61 = arith.extui %eq3A_60 : vector<1024x512xi1> to vector<1024x512xi32>
    %convert_element_type3A_62 = arith.sitofp %convert_element_type3A_61 : vector<1024x512xi32> to vector<1024x512xf32>
    %dot_general3A_63 = arith.constant dense<0.000000e+00> : vector<1024x8xf32>
    %dot_general3A_64 = tpu.matmul %convert_element_type3A_62, %get3A_11, %dot_general3A_63 {dimension_numbers = #tpu.dot_dimension_numbers<[1], [0], [0], [1], [0, 0, 1, 1], [], []>, transpose_lhs_hint = false} : vector<1024x512xf32>, vector<512x8xf32>, vector<1024x8xf32> -> vector<1024x8xf32>
    %slice3A_65 = vector.extract_strided_slice %div3A_5 {offsets = [0, 24], sizes = [1024, 8], strides = [1, 1]} : vector<1024x128xf32> to vector<1024x8xf32>
    %dot_general3A_66 = arith.constant dense<0.000000e+00> : vector<1024x512xf32>
    %dot_general3A_67 = tpu.matmul %slice3A_65, %get3A_8, %dot_general3A_66 {dimension_numbers = #tpu.dot_dimension_numbers<[1], [0], [0], [1], [0, 0, 1, 1], [], []>, transpose_lhs_hint = false} : vector<1024x8xf32>, vector<8x512xf32>, vector<1024x512xf32> -> vector<1024x512xf32>
    %mul3A_68 = arith.mulf %slice3A_65, %slice3A_65 : vector<1024x8xf32>
    %reduce_sum3A_69 = arith.constant dense<0.000000e+00> : vector<1024xf32>
    %reduce_sum3A_70 = vector.multi_reduction <add>, %mul3A_68, %reduce_sum3A_69 [1] : vector<1024x8xf32> to vector<1024xf32>
    %broadcast_in_dim3A_71 = vector.shape_cast %reduce_sum3A_70 : vector<1024xf32> to vector<1024x1xf32>
    %add3A_72 = vector.broadcast %broadcast_in_dim3A_71 : vector<1024x1xf32> to vector<1024x512xf32>
    %add3A_73 = arith.addf %add3A_72, %dot_general3A_67 : vector<1024x512xf32>
    %add3A_74 = vector.broadcast %get3A_14 : vector<1x512xf32> to vector<1024x512xf32>
    %add3A_75 = arith.addf %add3A_73, %add3A_74 : vector<1024x512xf32>
    %argmin3A_76 = tpu.reduce_index %add3A_75 {axis = 1 : i32, kind = #tpu.reduction_kind<arg_min>} : vector<1024x512xf32> -> vector<1024xi32>
    %broadcast_in_dim3A_77 = vector.shape_cast %argmin3A_76 : vector<1024xi32> to vector<1024x1xi32>
    %iota3A_78 = tpu.iota {dimensions = array<i32: 1>} : vector<1024x512xi32>
    %eq3A_79 = vector.broadcast %broadcast_in_dim3A_77 : vector<1024x1xi32> to vector<1024x512xi32>
    %eq3A_80 = arith.cmpi eq, %iota3A_78, %eq3A_79 : vector<1024x512xi32>
    %convert_element_type3A_81 = arith.extui %eq3A_80 : vector<1024x512xi1> to vector<1024x512xi32>
    %convert_element_type3A_82 = arith.sitofp %convert_element_type3A_81 : vector<1024x512xi32> to vector<1024x512xf32>
    %dot_general3A_83 = arith.constant dense<0.000000e+00> : vector<1024x8xf32>
    %dot_general3A_84 = tpu.matmul %convert_element_type3A_82, %get3A_11, %dot_general3A_83 {dimension_numbers = #tpu.dot_dimension_numbers<[1], [0], [0], [1], [0, 0, 1, 1], [], []>, transpose_lhs_hint = false} : vector<1024x512xf32>, vector<512x8xf32>, vector<1024x8xf32> -> vector<1024x8xf32>
    %slice3A_85 = vector.extract_strided_slice %div3A_5 {offsets = [0, 32], sizes = [1024, 8], strides = [1, 1]} : vector<1024x128xf32> to vector<1024x8xf32>
    %dot_general3A_86 = arith.constant dense<0.000000e+00> : vector<1024x512xf32>
    %dot_general3A_87 = tpu.matmul %slice3A_85, %get3A_8, %dot_general3A_86 {dimension_numbers = #tpu.dot_dimension_numbers<[1], [0], [0], [1], [0, 0, 1, 1], [], []>, transpose_lhs_hint = false} : vector<1024x8xf32>, vector<8x512xf32>, vector<1024x512xf32> -> vector<1024x512xf32>
    %mul3A_88 = arith.mulf %slice3A_85, %slice3A_85 : vector<1024x8xf32>
    %reduce_sum3A_89 = arith.constant dense<0.000000e+00> : vector<1024xf32>
    %reduce_sum3A_90 = vector.multi_reduction <add>, %mul3A_88, %reduce_sum3A_89 [1] : vector<1024x8xf32> to vector<1024xf32>
    %broadcast_in_dim3A_91 = vector.shape_cast %reduce_sum3A_90 : vector<1024xf32> to vector<1024x1xf32>
    %add3A_92 = vector.broadcast %broadcast_in_dim3A_91 : vector<1024x1xf32> to vector<1024x512xf32>
    %add3A_93 = arith.addf %add3A_92, %dot_general3A_87 : vector<1024x512xf32>
    %add3A_94 = vector.broadcast %get3A_14 : vector<1x512xf32> to vector<1024x512xf32>
    %add3A_95 = arith.addf %add3A_93, %add3A_94 : vector<1024x512xf32>
    %argmin3A_96 = tpu.reduce_index %add3A_95 {axis = 1 : i32, kind = #tpu.reduction_kind<arg_min>} : vector<1024x512xf32> -> vector<1024xi32>
    %broadcast_in_dim3A_97 = vector.shape_cast %argmin3A_96 : vector<1024xi32> to vector<1024x1xi32>
    %iota3A_98 = tpu.iota {dimensions = array<i32: 1>} : vector<1024x512xi32>
    %eq3A_99 = vector.broadcast %broadcast_in_dim3A_97 : vector<1024x1xi32> to vector<1024x512xi32>
    %eq3A_100 = arith.cmpi eq, %iota3A_98, %eq3A_99 : vector<1024x512xi32>
    %convert_element_type3A_101 = arith.extui %eq3A_100 : vector<1024x512xi1> to vector<1024x512xi32>
    %convert_element_type3A_102 = arith.sitofp %convert_element_type3A_101 : vector<1024x512xi32> to vector<1024x512xf32>
    %dot_general3A_103 = arith.constant dense<0.000000e+00> : vector<1024x8xf32>
    %dot_general3A_104 = tpu.matmul %convert_element_type3A_102, %get3A_11, %dot_general3A_103 {dimension_numbers = #tpu.dot_dimension_numbers<[1], [0], [0], [1], [0, 0, 1, 1], [], []>, transpose_lhs_hint = false} : vector<1024x512xf32>, vector<512x8xf32>, vector<1024x8xf32> -> vector<1024x8xf32>
    %slice3A_105 = vector.extract_strided_slice %div3A_5 {offsets = [0, 40], sizes = [1024, 8], strides = [1, 1]} : vector<1024x128xf32> to vector<1024x8xf32>
    %dot_general3A_106 = arith.constant dense<0.000000e+00> : vector<1024x512xf32>
    %dot_general3A_107 = tpu.matmul %slice3A_105, %get3A_8, %dot_general3A_106 {dimension_numbers = #tpu.dot_dimension_numbers<[1], [0], [0], [1], [0, 0, 1, 1], [], []>, transpose_lhs_hint = false} : vector<1024x8xf32>, vector<8x512xf32>, vector<1024x512xf32> -> vector<1024x512xf32>
    %mul3A_108 = arith.mulf %slice3A_105, %slice3A_105 : vector<1024x8xf32>
    %reduce_sum3A_109 = arith.constant dense<0.000000e+00> : vector<1024xf32>
    %reduce_sum3A_110 = vector.multi_reduction <add>, %mul3A_108, %reduce_sum3A_109 [1] : vector<1024x8xf32> to vector<1024xf32>
    %broadcast_in_dim3A_111 = vector.shape_cast %reduce_sum3A_110 : vector<1024xf32> to vector<1024x1xf32>
    %add3A_112 = vector.broadcast %broadcast_in_dim3A_111 : vector<1024x1xf32> to vector<1024x512xf32>
    %add3A_113 = arith.addf %add3A_112, %dot_general3A_107 : vector<1024x512xf32>
    %add3A_114 = vector.broadcast %get3A_14 : vector<1x512xf32> to vector<1024x512xf32>
    %add3A_115 = arith.addf %add3A_113, %add3A_114 : vector<1024x512xf32>
    %argmin3A_116 = tpu.reduce_index %add3A_115 {axis = 1 : i32, kind = #tpu.reduction_kind<arg_min>} : vector<1024x512xf32> -> vector<1024xi32>
    %broadcast_in_dim3A_117 = vector.shape_cast %argmin3A_116 : vector<1024xi32> to vector<1024x1xi32>
    %iota3A_118 = tpu.iota {dimensions = array<i32: 1>} : vector<1024x512xi32>
    %eq3A_119 = vector.broadcast %broadcast_in_dim3A_117 : vector<1024x1xi32> to vector<1024x512xi32>
    %eq3A_120 = arith.cmpi eq, %iota3A_118, %eq3A_119 : vector<1024x512xi32>
    %convert_element_type3A_121 = arith.extui %eq3A_120 : vector<1024x512xi1> to vector<1024x512xi32>
    %convert_element_type3A_122 = arith.sitofp %convert_element_type3A_121 : vector<1024x512xi32> to vector<1024x512xf32>
    %dot_general3A_123 = arith.constant dense<0.000000e+00> : vector<1024x8xf32>
    %dot_general3A_124 = tpu.matmul %convert_element_type3A_122, %get3A_11, %dot_general3A_123 {dimension_numbers = #tpu.dot_dimension_numbers<[1], [0], [0], [1], [0, 0, 1, 1], [], []>, transpose_lhs_hint = false} : vector<1024x512xf32>, vector<512x8xf32>, vector<1024x8xf32> -> vector<1024x8xf32>
    %slice3A_125 = vector.extract_strided_slice %div3A_5 {offsets = [0, 48], sizes = [1024, 8], strides = [1, 1]} : vector<1024x128xf32> to vector<1024x8xf32>
    %dot_general3A_126 = arith.constant dense<0.000000e+00> : vector<1024x512xf32>
    %dot_general3A_127 = tpu.matmul %slice3A_125, %get3A_8, %dot_general3A_126 {dimension_numbers = #tpu.dot_dimension_numbers<[1], [0], [0], [1], [0, 0, 1, 1], [], []>, transpose_lhs_hint = false} : vector<1024x8xf32>, vector<8x512xf32>, vector<1024x512xf32> -> vector<1024x512xf32>
    %mul3A_128 = arith.mulf %slice3A_125, %slice3A_125 : vector<1024x8xf32>
    %reduce_sum3A_129 = arith.constant dense<0.000000e+00> : vector<1024xf32>
    %reduce_sum3A_130 = vector.multi_reduction <add>, %mul3A_128, %reduce_sum3A_129 [1] : vector<1024x8xf32> to vector<1024xf32>
    %broadcast_in_dim3A_131 = vector.shape_cast %reduce_sum3A_130 : vector<1024xf32> to vector<1024x1xf32>
    %add3A_132 = vector.broadcast %broadcast_in_dim3A_131 : vector<1024x1xf32> to vector<1024x512xf32>
    %add3A_133 = arith.addf %add3A_132, %dot_general3A_127 : vector<1024x512xf32>
    %add3A_134 = vector.broadcast %get3A_14 : vector<1x512xf32> to vector<1024x512xf32>
    %add3A_135 = arith.addf %add3A_133, %add3A_134 : vector<1024x512xf32>
    %argmin3A_136 = tpu.reduce_index %add3A_135 {axis = 1 : i32, kind = #tpu.reduction_kind<arg_min>} : vector<1024x512xf32> -> vector<1024xi32>
    %broadcast_in_dim3A_137 = vector.shape_cast %argmin3A_136 : vector<1024xi32> to vector<1024x1xi32>
    %iota3A_138 = tpu.iota {dimensions = array<i32: 1>} : vector<1024x512xi32>
    %eq3A_139 = vector.broadcast %broadcast_in_dim3A_137 : vector<1024x1xi32> to vector<1024x512xi32>
    %eq3A_140 = arith.cmpi eq, %iota3A_138, %eq3A_139 : vector<1024x512xi32>
    %convert_element_type3A_141 = arith.extui %eq3A_140 : vector<1024x512xi1> to vector<1024x512xi32>
    %convert_element_type3A_142 = arith.sitofp %convert_element_type3A_141 : vector<1024x512xi32> to vector<1024x512xf32>
    %dot_general3A_143 = arith.constant dense<0.000000e+00> : vector<1024x8xf32>
    %dot_general3A_144 = tpu.matmul %convert_element_type3A_142, %get3A_11, %dot_general3A_143 {dimension_numbers = #tpu.dot_dimension_numbers<[1], [0], [0], [1], [0, 0, 1, 1], [], []>, transpose_lhs_hint = false} : vector<1024x512xf32>, vector<512x8xf32>, vector<1024x8xf32> -> vector<1024x8xf32>
    %slice3A_145 = vector.extract_strided_slice %div3A_5 {offsets = [0, 56], sizes = [1024, 8], strides = [1, 1]} : vector<1024x128xf32> to vector<1024x8xf32>
    %dot_general3A_146 = arith.constant dense<0.000000e+00> : vector<1024x512xf32>
    %dot_general3A_147 = tpu.matmul %slice3A_145, %get3A_8, %dot_general3A_146 {dimension_numbers = #tpu.dot_dimension_numbers<[1], [0], [0], [1], [0, 0, 1, 1], [], []>, transpose_lhs_hint = false} : vector<1024x8xf32>, vector<8x512xf32>, vector<1024x512xf32> -> vector<1024x512xf32>
    %mul3A_148 = arith.mulf %slice3A_145, %slice3A_145 : vector<1024x8xf32>
    %reduce_sum3A_149 = arith.constant dense<0.000000e+00> : vector<1024xf32>
    %reduce_sum3A_150 = vector.multi_reduction <add>, %mul3A_148, %reduce_sum3A_149 [1] : vector<1024x8xf32> to vector<1024xf32>
    %broadcast_in_dim3A_151 = vector.shape_cast %reduce_sum3A_150 : vector<1024xf32> to vector<1024x1xf32>
    %add3A_152 = vector.broadcast %broadcast_in_dim3A_151 : vector<1024x1xf32> to vector<1024x512xf32>
    %add3A_153 = arith.addf %add3A_152, %dot_general3A_147 : vector<1024x512xf32>
    %add3A_154 = vector.broadcast %get3A_14 : vector<1x512xf32> to vector<1024x512xf32>
    %add3A_155 = arith.addf %add3A_153, %add3A_154 : vector<1024x512xf32>
    %argmin3A_156 = tpu.reduce_index %add3A_155 {axis = 1 : i32, kind = #tpu.reduction_kind<arg_min>} : vector<1024x512xf32> -> vector<1024xi32>
    %broadcast_in_dim3A_157 = vector.shape_cast %argmin3A_156 : vector<1024xi32> to vector<1024x1xi32>
    %iota3A_158 = tpu.iota {dimensions = array<i32: 1>} : vector<1024x512xi32>
    %eq3A_159 = vector.broadcast %broadcast_in_dim3A_157 : vector<1024x1xi32> to vector<1024x512xi32>
    %eq3A_160 = arith.cmpi eq, %iota3A_158, %eq3A_159 : vector<1024x512xi32>
    %convert_element_type3A_161 = arith.extui %eq3A_160 : vector<1024x512xi1> to vector<1024x512xi32>
    %convert_element_type3A_162 = arith.sitofp %convert_element_type3A_161 : vector<1024x512xi32> to vector<1024x512xf32>
    %dot_general3A_163 = arith.constant dense<0.000000e+00> : vector<1024x8xf32>
    %dot_general3A_164 = tpu.matmul %convert_element_type3A_162, %get3A_11, %dot_general3A_163 {dimension_numbers = #tpu.dot_dimension_numbers<[1], [0], [0], [1], [0, 0, 1, 1], [], []>, transpose_lhs_hint = false} : vector<1024x512xf32>, vector<512x8xf32>, vector<1024x8xf32> -> vector<1024x8xf32>
    %slice3A_165 = vector.extract_strided_slice %div3A_5 {offsets = [0, 64], sizes = [1024, 8], strides = [1, 1]} : vector<1024x128xf32> to vector<1024x8xf32>
    %dot_general3A_166 = arith.constant dense<0.000000e+00> : vector<1024x512xf32>
    %dot_general3A_167 = tpu.matmul %slice3A_165, %get3A_8, %dot_general3A_166 {dimension_numbers = #tpu.dot_dimension_numbers<[1], [0], [0], [1], [0, 0, 1, 1], [], []>, transpose_lhs_hint = false} : vector<1024x8xf32>, vector<8x512xf32>, vector<1024x512xf32> -> vector<1024x512xf32>
    %mul3A_168 = arith.mulf %slice3A_165, %slice3A_165 : vector<1024x8xf32>
    %reduce_sum3A_169 = arith.constant dense<0.000000e+00> : vector<1024xf32>
    %reduce_sum3A_170 = vector.multi_reduction <add>, %mul3A_168, %reduce_sum3A_169 [1] : vector<1024x8xf32> to vector<1024xf32>
    %broadcast_in_dim3A_171 = vector.shape_cast %reduce_sum3A_170 : vector<1024xf32> to vector<1024x1xf32>
    %add3A_172 = vector.broadcast %broadcast_in_dim3A_171 : vector<1024x1xf32> to vector<1024x512xf32>
    %add3A_173 = arith.addf %add3A_172, %dot_general3A_167 : vector<1024x512xf32>
    %add3A_174 = vector.broadcast %get3A_14 : vector<1x512xf32> to vector<1024x512xf32>
    %add3A_175 = arith.addf %add3A_173, %add3A_174 : vector<1024x512xf32>
    %argmin3A_176 = tpu.reduce_index %add3A_175 {axis = 1 : i32, kind = #tpu.reduction_kind<arg_min>} : vector<1024x512xf32> -> vector<1024xi32>
    %broadcast_in_dim3A_177 = vector.shape_cast %argmin3A_176 : vector<1024xi32> to vector<1024x1xi32>
    %iota3A_178 = tpu.iota {dimensions = array<i32: 1>} : vector<1024x512xi32>
    %eq3A_179 = vector.broadcast %broadcast_in_dim3A_177 : vector<1024x1xi32> to vector<1024x512xi32>
    %eq3A_180 = arith.cmpi eq, %iota3A_178, %eq3A_179 : vector<1024x512xi32>
    %convert_element_type3A_181 = arith.extui %eq3A_180 : vector<1024x512xi1> to vector<1024x512xi32>
    %convert_element_type3A_182 = arith.sitofp %convert_element_type3A_181 : vector<1024x512xi32> to vector<1024x512xf32>
    %dot_general3A_183 = arith.constant dense<0.000000e+00> : vector<1024x8xf32>
    %dot_general3A_184 = tpu.matmul %convert_element_type3A_182, %get3A_11, %dot_general3A_183 {dimension_numbers = #tpu.dot_dimension_numbers<[1], [0], [0], [1], [0, 0, 1, 1], [], []>, transpose_lhs_hint = false} : vector<1024x512xf32>, vector<512x8xf32>, vector<1024x8xf32> -> vector<1024x8xf32>
    %slice3A_185 = vector.extract_strided_slice %div3A_5 {offsets = [0, 72], sizes = [1024, 8], strides = [1, 1]} : vector<1024x128xf32> to vector<1024x8xf32>
    %dot_general3A_186 = arith.constant dense<0.000000e+00> : vector<1024x512xf32>
    %dot_general3A_187 = tpu.matmul %slice3A_185, %get3A_8, %dot_general3A_186 {dimension_numbers = #tpu.dot_dimension_numbers<[1], [0], [0], [1], [0, 0, 1, 1], [], []>, transpose_lhs_hint = false} : vector<1024x8xf32>, vector<8x512xf32>, vector<1024x512xf32> -> vector<1024x512xf32>
    %mul3A_188 = arith.mulf %slice3A_185, %slice3A_185 : vector<1024x8xf32>
    %reduce_sum3A_189 = arith.constant dense<0.000000e+00> : vector<1024xf32>
    %reduce_sum3A_190 = vector.multi_reduction <add>, %mul3A_188, %reduce_sum3A_189 [1] : vector<1024x8xf32> to vector<1024xf32>
    %broadcast_in_dim3A_191 = vector.shape_cast %reduce_sum3A_190 : vector<1024xf32> to vector<1024x1xf32>
    %add3A_192 = vector.broadcast %broadcast_in_dim3A_191 : vector<1024x1xf32> to vector<1024x512xf32>
    %add3A_193 = arith.addf %add3A_192, %dot_general3A_187 : vector<1024x512xf32>
    %add3A_194 = vector.broadcast %get3A_14 : vector<1x512xf32> to vector<1024x512xf32>
    %add3A_195 = arith.addf %add3A_193, %add3A_194 : vector<1024x512xf32>
    %argmin3A_196 = tpu.reduce_index %add3A_195 {axis = 1 : i32, kind = #tpu.reduction_kind<arg_min>} : vector<1024x512xf32> -> vector<1024xi32>
    %broadcast_in_dim3A_197 = vector.shape_cast %argmin3A_196 : vector<1024xi32> to vector<1024x1xi32>
    %iota3A_198 = tpu.iota {dimensions = array<i32: 1>} : vector<1024x512xi32>
    %eq3A_199 = vector.broadcast %broadcast_in_dim3A_197 : vector<1024x1xi32> to vector<1024x512xi32>
    %eq3A_200 = arith.cmpi eq, %iota3A_198, %eq3A_199 : vector<1024x512xi32>
    %convert_element_type3A_201 = arith.extui %eq3A_200 : vector<1024x512xi1> to vector<1024x512xi32>
    %convert_element_type3A_202 = arith.sitofp %convert_element_type3A_201 : vector<1024x512xi32> to vector<1024x512xf32>
    %dot_general3A_203 = arith.constant dense<0.000000e+00> : vector<1024x8xf32>
    %dot_general3A_204 = tpu.matmul %convert_element_type3A_202, %get3A_11, %dot_general3A_203 {dimension_numbers = #tpu.dot_dimension_numbers<[1], [0], [0], [1], [0, 0, 1, 1], [], []>, transpose_lhs_hint = false} : vector<1024x512xf32>, vector<512x8xf32>, vector<1024x8xf32> -> vector<1024x8xf32>
    %slice3A_205 = vector.extract_strided_slice %div3A_5 {offsets = [0, 80], sizes = [1024, 8], strides = [1, 1]} : vector<1024x128xf32> to vector<1024x8xf32>
    %dot_general3A_206 = arith.constant dense<0.000000e+00> : vector<1024x512xf32>
    %dot_general3A_207 = tpu.matmul %slice3A_205, %get3A_8, %dot_general3A_206 {dimension_numbers = #tpu.dot_dimension_numbers<[1], [0], [0], [1], [0, 0, 1, 1], [], []>, transpose_lhs_hint = false} : vector<1024x8xf32>, vector<8x512xf32>, vector<1024x512xf32> -> vector<1024x512xf32>
    %mul3A_208 = arith.mulf %slice3A_205, %slice3A_205 : vector<1024x8xf32>
    %reduce_sum3A_209 = arith.constant dense<0.000000e+00> : vector<1024xf32>
    %reduce_sum3A_210 = vector.multi_reduction <add>, %mul3A_208, %reduce_sum3A_209 [1] : vector<1024x8xf32> to vector<1024xf32>
    %broadcast_in_dim3A_211 = vector.shape_cast %reduce_sum3A_210 : vector<1024xf32> to vector<1024x1xf32>
    %add3A_212 = vector.broadcast %broadcast_in_dim3A_211 : vector<1024x1xf32> to vector<1024x512xf32>
    %add3A_213 = arith.addf %add3A_212, %dot_general3A_207 : vector<1024x512xf32>
    %add3A_214 = vector.broadcast %get3A_14 : vector<1x512xf32> to vector<1024x512xf32>
    %add3A_215 = arith.addf %add3A_213, %add3A_214 : vector<1024x512xf32>
    %argmin3A_216 = tpu.reduce_index %add3A_215 {axis = 1 : i32, kind = #tpu.reduction_kind<arg_min>} : vector<1024x512xf32> -> vector<1024xi32>
    %broadcast_in_dim3A_217 = vector.shape_cast %argmin3A_216 : vector<1024xi32> to vector<1024x1xi32>
    %iota3A_218 = tpu.iota {dimensions = array<i32: 1>} : vector<1024x512xi32>
    %eq3A_219 = vector.broadcast %broadcast_in_dim3A_217 : vector<1024x1xi32> to vector<1024x512xi32>
    %eq3A_220 = arith.cmpi eq, %iota3A_218, %eq3A_219 : vector<1024x512xi32>
    %convert_element_type3A_221 = arith.extui %eq3A_220 : vector<1024x512xi1> to vector<1024x512xi32>
    %convert_element_type3A_222 = arith.sitofp %convert_element_type3A_221 : vector<1024x512xi32> to vector<1024x512xf32>
    %dot_general3A_223 = arith.constant dense<0.000000e+00> : vector<1024x8xf32>
    %dot_general3A_224 = tpu.matmul %convert_element_type3A_222, %get3A_11, %dot_general3A_223 {dimension_numbers = #tpu.dot_dimension_numbers<[1], [0], [0], [1], [0, 0, 1, 1], [], []>, transpose_lhs_hint = false} : vector<1024x512xf32>, vector<512x8xf32>, vector<1024x8xf32> -> vector<1024x8xf32>
    %slice3A_225 = vector.extract_strided_slice %div3A_5 {offsets = [0, 88], sizes = [1024, 8], strides = [1, 1]} : vector<1024x128xf32> to vector<1024x8xf32>
    %dot_general3A_226 = arith.constant dense<0.000000e+00> : vector<1024x512xf32>
    %dot_general3A_227 = tpu.matmul %slice3A_225, %get3A_8, %dot_general3A_226 {dimension_numbers = #tpu.dot_dimension_numbers<[1], [0], [0], [1], [0, 0, 1, 1], [], []>, transpose_lhs_hint = false} : vector<1024x8xf32>, vector<8x512xf32>, vector<1024x512xf32> -> vector<1024x512xf32>
    %mul3A_228 = arith.mulf %slice3A_225, %slice3A_225 : vector<1024x8xf32>
    %reduce_sum3A_229 = arith.constant dense<0.000000e+00> : vector<1024xf32>
    %reduce_sum3A_230 = vector.multi_reduction <add>, %mul3A_228, %reduce_sum3A_229 [1] : vector<1024x8xf32> to vector<1024xf32>
    %broadcast_in_dim3A_231 = vector.shape_cast %reduce_sum3A_230 : vector<1024xf32> to vector<1024x1xf32>
    %add3A_232 = vector.broadcast %broadcast_in_dim3A_231 : vector<1024x1xf32> to vector<1024x512xf32>
    %add3A_233 = arith.addf %add3A_232, %dot_general3A_227 : vector<1024x512xf32>
    %add3A_234 = vector.broadcast %get3A_14 : vector<1x512xf32> to vector<1024x512xf32>
    %add3A_235 = arith.addf %add3A_233, %add3A_234 : vector<1024x512xf32>
    %argmin3A_236 = tpu.reduce_index %add3A_235 {axis = 1 : i32, kind = #tpu.reduction_kind<arg_min>} : vector<1024x512xf32> -> vector<1024xi32>
    %broadcast_in_dim3A_237 = vector.shape_cast %argmin3A_236 : vector<1024xi32> to vector<1024x1xi32>
    %iota3A_238 = tpu.iota {dimensions = array<i32: 1>} : vector<1024x512xi32>
    %eq3A_239 = vector.broadcast %broadcast_in_dim3A_237 : vector<1024x1xi32> to vector<1024x512xi32>
    %eq3A_240 = arith.cmpi eq, %iota3A_238, %eq3A_239 : vector<1024x512xi32>
    %convert_element_type3A_241 = arith.extui %eq3A_240 : vector<1024x512xi1> to vector<1024x512xi32>
    %convert_element_type3A_242 = arith.sitofp %convert_element_type3A_241 : vector<1024x512xi32> to vector<1024x512xf32>
    %dot_general3A_243 = arith.constant dense<0.000000e+00> : vector<1024x8xf32>
    %dot_general3A_244 = tpu.matmul %convert_element_type3A_242, %get3A_11, %dot_general3A_243 {dimension_numbers = #tpu.dot_dimension_numbers<[1], [0], [0], [1], [0, 0, 1, 1], [], []>, transpose_lhs_hint = false} : vector<1024x512xf32>, vector<512x8xf32>, vector<1024x8xf32> -> vector<1024x8xf32>
    %slice3A_245 = vector.extract_strided_slice %div3A_5 {offsets = [0, 96], sizes = [1024, 8], strides = [1, 1]} : vector<1024x128xf32> to vector<1024x8xf32>
    %dot_general3A_246 = arith.constant dense<0.000000e+00> : vector<1024x512xf32>
    %dot_general3A_247 = tpu.matmul %slice3A_245, %get3A_8, %dot_general3A_246 {dimension_numbers = #tpu.dot_dimension_numbers<[1], [0], [0], [1], [0, 0, 1, 1], [], []>, transpose_lhs_hint = false} : vector<1024x8xf32>, vector<8x512xf32>, vector<1024x512xf32> -> vector<1024x512xf32>
    %mul3A_248 = arith.mulf %slice3A_245, %slice3A_245 : vector<1024x8xf32>
    %reduce_sum3A_249 = arith.constant dense<0.000000e+00> : vector<1024xf32>
    %reduce_sum3A_250 = vector.multi_reduction <add>, %mul3A_248, %reduce_sum3A_249 [1] : vector<1024x8xf32> to vector<1024xf32>
    %broadcast_in_dim3A_251 = vector.shape_cast %reduce_sum3A_250 : vector<1024xf32> to vector<1024x1xf32>
    %add3A_252 = vector.broadcast %broadcast_in_dim3A_251 : vector<1024x1xf32> to vector<1024x512xf32>
    %add3A_253 = arith.addf %add3A_252, %dot_general3A_247 : vector<1024x512xf32>
    %add3A_254 = vector.broadcast %get3A_14 : vector<1x512xf32> to vector<1024x512xf32>
    %add3A_255 = arith.addf %add3A_253, %add3A_254 : vector<1024x512xf32>
    %argmin3A_256 = tpu.reduce_index %add3A_255 {axis = 1 : i32, kind = #tpu.reduction_kind<arg_min>} : vector<1024x512xf32> -> vector<1024xi32>
    %broadcast_in_dim3A_257 = vector.shape_cast %argmin3A_256 : vector<1024xi32> to vector<1024x1xi32>
    %iota3A_258 = tpu.iota {dimensions = array<i32: 1>} : vector<1024x512xi32>
    %eq3A_259 = vector.broadcast %broadcast_in_dim3A_257 : vector<1024x1xi32> to vector<1024x512xi32>
    %eq3A_260 = arith.cmpi eq, %iota3A_258, %eq3A_259 : vector<1024x512xi32>
    %convert_element_type3A_261 = arith.extui %eq3A_260 : vector<1024x512xi1> to vector<1024x512xi32>
    %convert_element_type3A_262 = arith.sitofp %convert_element_type3A_261 : vector<1024x512xi32> to vector<1024x512xf32>
    %dot_general3A_263 = arith.constant dense<0.000000e+00> : vector<1024x8xf32>
    %dot_general3A_264 = tpu.matmul %convert_element_type3A_262, %get3A_11, %dot_general3A_263 {dimension_numbers = #tpu.dot_dimension_numbers<[1], [0], [0], [1], [0, 0, 1, 1], [], []>, transpose_lhs_hint = false} : vector<1024x512xf32>, vector<512x8xf32>, vector<1024x8xf32> -> vector<1024x8xf32>
    %slice3A_265 = vector.extract_strided_slice %div3A_5 {offsets = [0, 104], sizes = [1024, 8], strides = [1, 1]} : vector<1024x128xf32> to vector<1024x8xf32>
    %dot_general3A_266 = arith.constant dense<0.000000e+00> : vector<1024x512xf32>
    %dot_general3A_267 = tpu.matmul %slice3A_265, %get3A_8, %dot_general3A_266 {dimension_numbers = #tpu.dot_dimension_numbers<[1], [0], [0], [1], [0, 0, 1, 1], [], []>, transpose_lhs_hint = false} : vector<1024x8xf32>, vector<8x512xf32>, vector<1024x512xf32> -> vector<1024x512xf32>
    %mul3A_268 = arith.mulf %slice3A_265, %slice3A_265 : vector<1024x8xf32>
    %reduce_sum3A_269 = arith.constant dense<0.000000e+00> : vector<1024xf32>
    %reduce_sum3A_270 = vector.multi_reduction <add>, %mul3A_268, %reduce_sum3A_269 [1] : vector<1024x8xf32> to vector<1024xf32>
    %broadcast_in_dim3A_271 = vector.shape_cast %reduce_sum3A_270 : vector<1024xf32> to vector<1024x1xf32>
    %add3A_272 = vector.broadcast %broadcast_in_dim3A_271 : vector<1024x1xf32> to vector<1024x512xf32>
    %add3A_273 = arith.addf %add3A_272, %dot_general3A_267 : vector<1024x512xf32>
    %add3A_274 = vector.broadcast %get3A_14 : vector<1x512xf32> to vector<1024x512xf32>
    %add3A_275 = arith.addf %add3A_273, %add3A_274 : vector<1024x512xf32>
    %argmin3A_276 = tpu.reduce_index %add3A_275 {axis = 1 : i32, kind = #tpu.reduction_kind<arg_min>} : vector<1024x512xf32> -> vector<1024xi32>
    %broadcast_in_dim3A_277 = vector.shape_cast %argmin3A_276 : vector<1024xi32> to vector<1024x1xi32>
    %iota3A_278 = tpu.iota {dimensions = array<i32: 1>} : vector<1024x512xi32>
    %eq3A_279 = vector.broadcast %broadcast_in_dim3A_277 : vector<1024x1xi32> to vector<1024x512xi32>
    %eq3A_280 = arith.cmpi eq, %iota3A_278, %eq3A_279 : vector<1024x512xi32>
    %convert_element_type3A_281 = arith.extui %eq3A_280 : vector<1024x512xi1> to vector<1024x512xi32>
    %convert_element_type3A_282 = arith.sitofp %convert_element_type3A_281 : vector<1024x512xi32> to vector<1024x512xf32>
    %dot_general3A_283 = arith.constant dense<0.000000e+00> : vector<1024x8xf32>
    %dot_general3A_284 = tpu.matmul %convert_element_type3A_282, %get3A_11, %dot_general3A_283 {dimension_numbers = #tpu.dot_dimension_numbers<[1], [0], [0], [1], [0, 0, 1, 1], [], []>, transpose_lhs_hint = false} : vector<1024x512xf32>, vector<512x8xf32>, vector<1024x8xf32> -> vector<1024x8xf32>
    %slice3A_285 = vector.extract_strided_slice %div3A_5 {offsets = [0, 112], sizes = [1024, 8], strides = [1, 1]} : vector<1024x128xf32> to vector<1024x8xf32>
    %dot_general3A_286 = arith.constant dense<0.000000e+00> : vector<1024x512xf32>
    %dot_general3A_287 = tpu.matmul %slice3A_285, %get3A_8, %dot_general3A_286 {dimension_numbers = #tpu.dot_dimension_numbers<[1], [0], [0], [1], [0, 0, 1, 1], [], []>, transpose_lhs_hint = false} : vector<1024x8xf32>, vector<8x512xf32>, vector<1024x512xf32> -> vector<1024x512xf32>
    %mul3A_288 = arith.mulf %slice3A_285, %slice3A_285 : vector<1024x8xf32>
    %reduce_sum3A_289 = arith.constant dense<0.000000e+00> : vector<1024xf32>
    %reduce_sum3A_290 = vector.multi_reduction <add>, %mul3A_288, %reduce_sum3A_289 [1] : vector<1024x8xf32> to vector<1024xf32>
    %broadcast_in_dim3A_291 = vector.shape_cast %reduce_sum3A_290 : vector<1024xf32> to vector<1024x1xf32>
    %add3A_292 = vector.broadcast %broadcast_in_dim3A_291 : vector<1024x1xf32> to vector<1024x512xf32>
    %add3A_293 = arith.addf %add3A_292, %dot_general3A_287 : vector<1024x512xf32>
    %add3A_294 = vector.broadcast %get3A_14 : vector<1x512xf32> to vector<1024x512xf32>
    %add3A_295 = arith.addf %add3A_293, %add3A_294 : vector<1024x512xf32>
    %argmin3A_296 = tpu.reduce_index %add3A_295 {axis = 1 : i32, kind = #tpu.reduction_kind<arg_min>} : vector<1024x512xf32> -> vector<1024xi32>
    %broadcast_in_dim3A_297 = vector.shape_cast %argmin3A_296 : vector<1024xi32> to vector<1024x1xi32>
    %iota3A_298 = tpu.iota {dimensions = array<i32: 1>} : vector<1024x512xi32>
    %eq3A_299 = vector.broadcast %broadcast_in_dim3A_297 : vector<1024x1xi32> to vector<1024x512xi32>
    %eq3A_300 = arith.cmpi eq, %iota3A_298, %eq3A_299 : vector<1024x512xi32>
    %convert_element_type3A_301 = arith.extui %eq3A_300 : vector<1024x512xi1> to vector<1024x512xi32>
    %convert_element_type3A_302 = arith.sitofp %convert_element_type3A_301 : vector<1024x512xi32> to vector<1024x512xf32>
    %dot_general3A_303 = arith.constant dense<0.000000e+00> : vector<1024x8xf32>
    %dot_general3A_304 = tpu.matmul %convert_element_type3A_302, %get3A_11, %dot_general3A_303 {dimension_numbers = #tpu.dot_dimension_numbers<[1], [0], [0], [1], [0, 0, 1, 1], [], []>, transpose_lhs_hint = false} : vector<1024x512xf32>, vector<512x8xf32>, vector<1024x8xf32> -> vector<1024x8xf32>
    %slice3A_305 = vector.extract_strided_slice %div3A_5 {offsets = [0, 120], sizes = [1024, 8], strides = [1, 1]} : vector<1024x128xf32> to vector<1024x8xf32>
    %dot_general3A_306 = arith.constant dense<0.000000e+00> : vector<1024x512xf32>
    %dot_general3A_307 = tpu.matmul %slice3A_305, %get3A_8, %dot_general3A_306 {dimension_numbers = #tpu.dot_dimension_numbers<[1], [0], [0], [1], [0, 0, 1, 1], [], []>, transpose_lhs_hint = false} : vector<1024x8xf32>, vector<8x512xf32>, vector<1024x512xf32> -> vector<1024x512xf32>
    %mul3A_308 = arith.mulf %slice3A_305, %slice3A_305 : vector<1024x8xf32>
    %reduce_sum3A_309 = arith.constant dense<0.000000e+00> : vector<1024xf32>
    %reduce_sum3A_310 = vector.multi_reduction <add>, %mul3A_308, %reduce_sum3A_309 [1] : vector<1024x8xf32> to vector<1024xf32>
    %broadcast_in_dim3A_311 = vector.shape_cast %reduce_sum3A_310 : vector<1024xf32> to vector<1024x1xf32>
    %add3A_312 = vector.broadcast %broadcast_in_dim3A_311 : vector<1024x1xf32> to vector<1024x512xf32>
    %add3A_313 = arith.addf %add3A_312, %dot_general3A_307 : vector<1024x512xf32>
    %add3A_314 = vector.broadcast %get3A_14 : vector<1x512xf32> to vector<1024x512xf32>
    %add3A_315 = arith.addf %add3A_313, %add3A_314 : vector<1024x512xf32>
    %argmin3A_316 = tpu.reduce_index %add3A_315 {axis = 1 : i32, kind = #tpu.reduction_kind<arg_min>} : vector<1024x512xf32> -> vector<1024xi32>
    %broadcast_in_dim3A_317 = vector.shape_cast %argmin3A_316 : vector<1024xi32> to vector<1024x1xi32>
    %iota3A_318 = tpu.iota {dimensions = array<i32: 1>} : vector<1024x512xi32>
    %eq3A_319 = vector.broadcast %broadcast_in_dim3A_317 : vector<1024x1xi32> to vector<1024x512xi32>
    %eq3A_320 = arith.cmpi eq, %iota3A_318, %eq3A_319 : vector<1024x512xi32>
    %convert_element_type3A_321 = arith.extui %eq3A_320 : vector<1024x512xi1> to vector<1024x512xi32>
    %convert_element_type3A_322 = arith.sitofp %convert_element_type3A_321 : vector<1024x512xi32> to vector<1024x512xf32>
    %dot_general3A_323 = arith.constant dense<0.000000e+00> : vector<1024x8xf32>
    %dot_general3A_324 = tpu.matmul %convert_element_type3A_322, %get3A_11, %dot_general3A_323 {dimension_numbers = #tpu.dot_dimension_numbers<[1], [0], [0], [1], [0, 0, 1, 1], [], []>, transpose_lhs_hint = false} : vector<1024x512xf32>, vector<512x8xf32>, vector<1024x8xf32> -> vector<1024x8xf32>
    %concatenate3A = tpu.concatenate %dot_general3A_24, %dot_general3A_44, %dot_general3A_64, %dot_general3A_84, %dot_general3A_104, %dot_general3A_124, %dot_general3A_144, %dot_general3A_164, %dot_general3A_184, %dot_general3A_204, %dot_general3A_224, %dot_general3A_244, %dot_general3A_264, %dot_general3A_284, %dot_general3A_304, %dot_general3A_324 in 1 : vector<1024x8xf32>, vector<1024x8xf32>, vector<1024x8xf32>, vector<1024x8xf32>, vector<1024x8xf32>, vector<1024x8xf32>, vector<1024x8xf32>, vector<1024x8xf32>, vector<1024x8xf32>, vector<1024x8xf32>, vector<1024x8xf32>, vector<1024x8xf32>, vector<1024x8xf32>, vector<1024x8xf32>, vector<1024x8xf32>, vector<1024x8xf32> -> vector<1024x128xf32>
    %get3A_325 = arith.constant 0 : index
    %get3A_326 = arith.constant 0 : index
    %get3A_327 = vector.load %arg1[%get3A_325, %get3A_326] : memref<1024x1xf32, #tpu.memory_space<vmem>>, vector<1024x1xf32>
    %mul3A_328 = vector.broadcast %get3A_327 : vector<1024x1xf32> to vector<1024x128xf32>
    %mul3A_329 = arith.mulf %concatenate3A, %mul3A_328 : vector<1024x128xf32>
    %swap3A = arith.constant 0 : index
    %swap3A_330 = arith.constant 0 : index
    %swap3A_331 = vector.load %arg5[%swap3A, %swap3A_330] : memref<1024x128xf32, #tpu.memory_space<vmem>>, vector<1024x128xf32>
    tpu.vector_store %arg5[%swap3A, %swap3A_330], %mul3A_329 {strides = array<i32>} : memref<1024x128xf32, #tpu.memory_space<vmem>>, vector<1024x128xf32>,
    return
  }
}

module attributes {stable_mosaic.version = 14 : i64} {
  func.func @_matmul_body(%arg0: i32, %arg1: memref<512x128xf32, #tpu.memory_space<vmem>>, %arg2: memref<32x4096xf32, #tpu.memory_space<vmem>>, %arg3: memref<512x4096xf32, #tpu.memory_space<vmem>>) attributes {dimension_semantics = [#tpu.dimension_semantics<arbitrary>], iteration_bounds = array<i64: 32>, scalar_prefetch = 0 : i64, scratch_operands = 0 : i64, tpu.core_type = #tpu.core_type<tc>, window_params = [{transform_indices = @transform_0, window_bounds = array<i64: 512, 128>}, {pipeline_mode = #tpu.pipeline_mode<synchronous>, transform_indices = @transform_1, window_bounds = array<i64: 32, 4096>}, {transform_indices = @transform_2, window_bounds = array<i64: 512, 4096>}]} {
    %get3A = arith.constant 0 : index
    %get3A_0 = arith.constant 0 : index
    %get3A_1 = vector.load %arg1[%get3A, %get3A_0] : memref<512x128xf32, #tpu.memory_space<vmem>>, vector<512x128xf32>
    %slice3A = vector.extract_strided_slice %get3A_1 {offsets = [0, 0], sizes = [512, 32], strides = [1, 1]} : vector<512x128xf32> to vector<512x32xf32>
    %get3A_2 = arith.constant 0 : index
    %get3A_3 = arith.constant 0 : index
    %get3A_4 = vector.load %arg2[%get3A_2, %get3A_3] : memref<32x4096xf32, #tpu.memory_space<vmem>>, vector<32x4096xf32>
    %dot_general3A = arith.constant dense<0.000000e+00> : vector<512x4096xf32>
    %dot_general3A_5 = tpu.matmul %slice3A, %get3A_4, %dot_general3A {dimension_numbers = #tpu.dot_dimension_numbers<[1], [0], [0], [1], [0, 0, 1, 1], [], []>, transpose_lhs_hint = false} : vector<512x32xf32>, vector<32x4096xf32>, vector<512x4096xf32> -> vector<512x4096xf32>
    %swap3A = arith.constant 0 : index
    %swap3A_6 = arith.constant 0 : index
    %swap3A_7 = vector.load %arg3[%swap3A, %swap3A_6] : memref<512x4096xf32, #tpu.memory_space<vmem>>, vector<512x4096xf32>
    tpu.vector_store %arg3[%swap3A, %swap3A_6], %dot_general3A_5 {strides = array<i32>} : memref<512x4096xf32, #tpu.memory_space<vmem>>, vector<512x4096xf32>,
    return
  }
  func.func @transform_0(%arg0: i32) -> (i32, i32) {
    %c0_i32 = arith.constant 0 : i32
    %c0_i32_0 = arith.constant 0 : i32
    return %arg0, %c0_i32 : i32, i32
  }
  func.func @transform_1(%arg0: i32) -> (i32, i32) {
    %c0_i32 = arith.constant 0 : i32
    %c0_i32_0 = arith.constant 0 : i32
    %c0_i32_1 = arith.constant 0 : i32
    return %c0_i32, %c0_i32_0 : i32, i32
  }
  func.func @transform_2(%arg0: i32) -> (i32, i32) {
    %c0_i32 = arith.constant 0 : i32
    %c0_i32_0 = arith.constant 0 : i32
    return %arg0, %c0_i32 : i32, i32
  }
}

</mosaic_0001>

<sc_bundles>
// kernel: kernel.6.cloned.1.call-start
scs
__scs_entry_jumppad:
0x0: {  	(pc) =	sbr.rel $0x88, $3  }
0x1: {  	(tag) =	ssettag $0x0;
	lr =	simm.s32 $0x1  }
0x2: {  	[smem:$0x3F9B] =	sst lr;
	_ =	strace $0xD0000000  }
0x3: {  	_ = 	snop  }
0x4: {  	_ = 	snop  }
0x5: {  	_ = 	snop  }
0x6: {  	_ = 	snop  }
0x7: {  	_ = 	snop  }
__scs_overlays_trampoline_lowered:
0x8: {  	[smem:$0x3FAA] =	sst s0  }
0x9: {  	[smem:$0x3FAB] =	sst s1  }
0xa: {  	[smem:$0x3FAC] =	sst s2  }
0xb: {  	[smem:$0x3FAD] =	sst s3  }
0xc: {  	[smem:$0x3FAE] =	sst s4  }
0xd: {  	[smem:$0x3FAF] =	sst s5  }
0xe: {  	[smem:$0x3FB0] =	sst s6  }
0xf: {  	[smem:$0x3FB1] =	sst s7  }
0x10: {  	[smem:$0x3FB2] =	sst s8  }
0x11: {  	[smem:$0x3FB3] =	sst s9;
	s0 =	simm.s32 @!p0 $0x0  }
0x12: {  	s1 =	sld [smem:$0x3F99];
	s0 =	simm.s32 @p0 $0x1  }
0x13: {  	[smem:$0x3FB4] =	sst s0;
	s0 =	simm.s32 @!p1 $0x0  }
0x14: {  	s2 =	sld [smem:$0x3F98];
	s0 =	simm.s32 @p1 $0x1  }
0x15: {  	[smem:$0x3FB5] =	sst s0;
	s0 =	simm.s32 @!p2 $0x0  }
0x16: {  	s3 =	sld [smem:$0x3FDB];
	s0 =	simm.s32 @p2 $0x1  }
0x17: {  	s4 =	simm.s32 $0x1BF5;
	[smem:$0x3FB7] =	sst s0  }
0x18: {  	s0 =	sld [smem:$0x3F9A];
	_ =	swait.ge [sflag:s4], $0x0  }
0x19: {  	s7 =	sld [smem:$0x3F9B]  }
0x1a: {  	s8 =	sadd.s32 $0xFFFFE003, lr  }
0x1b: {  	s9 =	sadd.s32 $0xFFFFFEF7, lr;
	s5 =	simm.s32 $0xFFFFFFFF;
	p2 =	slt.u32 s8, $0xFFFFF086  }
0x1c: {  	p1 =	slt.u32 s9, $0xF7A;
	s5 =	simm.s32 @!p2 $0x0  }
0x1d: {  	s5 =	simm.s32 @p1 $0x1;
	p0 =	seq.s32 s7, s2  }
0x1e: {  	s7 =	smul.u32 @!p0 $0xF7A, s2;
	p2 =	seq.s32 @!p0 s5, $0x0  }
0x1f: {  	s9 =	smul.u32 $0xF7A, s1;
	s8 =	simm.s32 @!p0 $0x1BF5;
	p2 =	por !p2, p0  }
0x20: {  	[sflag:s8] =	ssyncset.s32 @!p0 $0xFFFFF086;
	s6 =	sadd.s32 @!p0 s3, s7;
	s7 =	simm.s32 @!p0 $0x108  }
0x21: {  	s3 =	sadd.s32 s3, s9;
	s6 =	sadd.s32 @!p0 $0x88, s6;
	s7 =	simm.s32 @p2 $0x1082  }
0x22: {  	[simem:s7], [sflag:s8] =	dma.local @!p0 [hbm:s6], $0xF7A  }
0x23: {  	s9 =	sor.u32 $0xD0000000, s2;
	s6 =	simm.s32 $0x108;
	_ =	swait.ge @!p0 [sflag:s8], $0x0  }
0x24: {  	s3 =	sadd.s32 $0x88, s3;
	s6 =	simm.s32 @!p1 $0x1082;
	[sflag:s4] =	ssyncset.s32 $0xFFFFF086  }
0x25: {  	[simem:s6], [sflag:s4] =	dma.local [hbm:s3], $0xF7A  }
0x26: {  	[smem:$0x3F9B] =	sst s1;
	(tag) =	ssettag s2;
	_ =	strace s9  }
0x27: {  	s1 =	sld [smem:$0x3FAB]  }
0x28: {  	s2 =	sld [smem:$0x3FAC]  }
0x29: {  	s4 =	sld [smem:$0x3FAE]  }
0x2a: {  	p0 =	seq.s32 s5, $0x0;
	s5 =	sld [smem:$0x3FAF]  }
0x2b: {  	s6 =	sld [smem:$0x3FB0]  }
0x2c: {  	s7 =	sld [smem:$0x3FB1]  }
0x2d: {  	s3 =	simm.s32 $0x108;
	s8 =	sld [smem:$0x3FB2]  }
0x2e: {  	s3 =	simm.s32 @!p0 $0x1082;
	s9 =	sld [smem:$0x3FB3]  }
0x2f: {  	lr =	sadd.s32 s0, s3;
	s0 =	sld [smem:$0x3FAA]  }
0x30: {  	s3 =	sld [smem:$0x3FAD]  }
0x31: {  	[smem:$0x3FB6] =	sst s10  }
0x32: {  	s10 =	sld [smem:$0x3FB4];
	_ =	sdelay $0x3  }
0x33: {  	p0 =	seq.s32 s10, $0x1;
	s10 =	sld [smem:$0x3FB6];
	_ =	sdelay $0x3  }
0x34: {  	[smem:$0x3FB6] =	sst s10  }
0x35: {  	s10 =	sld [smem:$0x3FB5];
	_ =	sdelay $0x3  }
0x36: {  	p1 =	seq.s32 s10, $0x1;
	s10 =	sld [smem:$0x3FB6];
	_ =	sdelay $0x3  }
0x37: {  	[smem:$0x3FB6] =	sst s10  }
0x38: {  	s10 =	sld [smem:$0x3FB7]  }
0x39: {  	_ = 	snop;
	(pc) =	sbr.ind lr, $3  }
0x3a: {  	_ = 	snop  }
0x3b: {  	_ = 	snop  }
0x3c: {  	p2 =	seq.s32 s10, $0x1;
	s10 =	sld [smem:$0x3FB6]  }
0x3d: {  	_ =	shalt  }
0x3e: {  	_ =	shalt  }
0x3f: {  	_ =	shalt  }
0x40: {  	_ =	shalt  }
0x41: {  	_ =	shalt  }
0x42: {  	_ =	shalt  }
0x43: {  	_ =	shalt  }
0x44: {  	_ =	shalt  }
0x45: {  	_ =	shalt  }
0x46: {  	_ =	shalt  }
0x47: {  	_ =	shalt  }
0x48: {  	_ =	shalt  }
0x49: {  	_ =	shalt  }
0x4a: {  	_ =	shalt  }
0x4b: {  	_ =	shalt  }
0x4c: {  	_ =	shalt  }
0x4d: {  	_ =	shalt  }
0x4e: {  	_ =	shalt  }
0x4f: {  	_ =	shalt  }
0x50: {  	_ =	shalt  }
0x51: {  	_ =	shalt  }
0x52: {  	_ =	shalt  }
0x53: {  	_ =	shalt  }
0x54: {  	_ =	shalt  }
0x55: {  	_ =	shalt  }
0x56: {  	_ =	shalt  }
0x57: {  	_ =	shalt  }
0x58: {  	_ =	shalt  }
0x59: {  	_ =	shalt  }
0x5a: {  	_ =	shalt  }
0x5b: {  	_ =	shalt  }
0x5c: {  	_ =	shalt  }
0x5d: {  	_ =	shalt  }
0x5e: {  	_ =	shalt  }
0x5f: {  	_ =	shalt  }
0x60: {  	_ =	shalt  }
0x61: {  	_ =	shalt  }
0x62: {  	_ =	shalt  }
0x63: {  	_ =	shalt  }
0x64: {  	_ =	shalt  }
0x65: {  	_ =	shalt  }
0x66: {  	_ =	shalt  }
0x67: {  	_ =	shalt  }
0x68: {  	_ =	shalt  }
0x69: {  	_ =	shalt  }
0x6a: {  	_ =	shalt  }
0x6b: {  	_ =	shalt  }
0x6c: {  	_ =	shalt  }
0x6d: {  	_ =	shalt  }
0x6e: {  	_ =	shalt  }
0x6f: {  	_ =	shalt  }
0x70: {  	_ =	shalt  }
0x71: {  	_ =	shalt  }
0x72: {  	_ =	shalt  }
0x73: {  	_ =	shalt  }
0x74: {  	_ =	shalt  }
0x75: {  	_ =	shalt  }
0x76: {  	_ =	shalt  }
0x77: {  	_ =	shalt  }
0x78: {  	_ =	shalt  }
0x79: {  	_ =	shalt  }
0x7a: {  	_ =	shalt  }
0x7b: {  	_ =	shalt  }
0x7c: {  	_ =	shalt  }
0x7d: {  	_ =	shalt  }
0x7e: {  	_ =	shalt  }
0x7f: {  	_ =	shalt  }
0x80: {  	_ =	shalt  }
0x81: {  	_ =	shalt  }
0x82: {  	_ =	shalt  }
0x83: {  	_ =	shalt  }
0x84: {  	_ =	shalt  }
0x85: {  	_ =	shalt  }
0x86: {  	_ =	shalt  }
0x87: {  	_ =	shalt  }
.Lfunc_end0:
.L_simem_size_0:
called_computation_lowered:
.L_overlay_start_0:
0x88: {  	s2 =	sld [smem:$0x3FD9]  }
0x89: {  	s3 =	sld [smem:$0x3FFE];
	_ =	sdelay $0x1  }
0x8a: {  	s1 =	srdreg.scid  }
0x8b: {  	s0 =	sand.u32 $0x1, s1  }
0x8c: {  	s17 =	sshll.u32 s0, $0xA;
	s2 =	sadd.s32 s3, s2  }
0x8d: {  	s2 =	sadd.s32 s2, s17  }
0x8e: {  	[smem:$0x3FC2] =	sst s2  }
0x8f: {  	_ = 	snop  }
0x90: {  	s2 =	sld [smem:$0x3FC9]  }
0x91: {  	s18 =	sld [smem:$0x3FD0];
	(tm) =	ssettm $0x1  }
0x92: {  	s4 =	sld [smem:$0x3FFB];
	_ =	sdelay $0x3  }
0x93: {  	_ =	strace s4  }
0x94: {  	s4 =	sld [smem:$0x3FFC];
	_ =	sdelay $0x3  }
0x95: {  	_ =	strace s4  }
0x96: {  	s4 =	sld [smem:$0x3FFD];
	_ =	sdelay $0x3  }
0x97: {  	_ =	strace s4  }
0x98: {  	_ =	strace $0x8FFFFFFF  }
0x99: {  	s19 =	sld [smem:$0x3FDB];
	_ =	sdelay $0x1  }
0x9a: {  	s5 =	simm.s32 $_scs_section_size  }
0x9b: {  	s6 =	simm.s32 $_size__tile_overlayer_lowered;
	s7 =	simm.s32 $_tile_overlayer_lowered  }
0x9c: {  	s22 =	simm.s32 $0x1BFF;
	s21 =	sshll.u32 s7, $0x1;
	s4 =	sadd.s32 s5, s19  }
0x9d: {  	s8 =	simm.s32 $0x0;
	s20 =	sshll.u32 s6, $0x1;
	s6 =	sadd.s32 s21, s4  }
0x9e: {  	[timem:s8], [sflag:s22] =	dma.local [hbm:s6], s20  }
0x9f: {  	_ =	swait.ge [sflag:s22], s20  }
0xa0: {  	s5 =	ssub.s32 $0x0, s20;
	[sflag:s22] =	ssyncset.done $0x0  }
0xa1: {  	[sflag:s22] =	ssyncadd.s32 s5;
	_ =	sdelay $0x1  }
0xa2: {  	s23 =	simm.s32 $0x1B8B  }
0xa3: {  	_ =	swait.ge [sflag:s23], $0x1  }
0xa4: {  	[sflag:s23] =	ssyncset.done $0x0  }
0xa5: {  	s25 =	simm.s32 $0x1B8E;
	s24 =	sld [smem:$0x3FFE];
	[sflag:s23] =	ssyncadd.s32 $0xFFFFFFFF  }
0xa6: {  	s26 =	simm.s32 $execute0_lowered;
	[smem:$0x3FD2] =	sst s25  }
0xa7: {  	s6 =	sshll.u32 s26, $0x1;
	_ =	strace $0x80000046;
	[dreg:$0x1] =	wrdreg $0xFFFFFFFF  }
0xa8: {  	s28 =	simm.s32 $_size_execute0_lowered;
	s4 =	sadd.s32 s4, s6;
	[dreg:$0x0] =	wrdreg $0x0  }
0xa9: {  	s6 =	sshll.u32 s28, $0x1;
	[dreg:$0x2] =	wrdreg s4  }
0xaa: {  	[dreg:$0x3] =	wrdreg s6  }
0xab: {  	[dreg:$0x4] =	wrdreg $0xC0  }
0xac: {  	_ =	task [dreg:s8], $0x5FFFF  }
0xad: {  	[dreg:$0x1] =	wrdreg $0xFFFFFFFF  }
0xae: {  	[dreg:$0x0] =	wrdreg $0x60  }
0xaf: {  	[dreg:$0x2] =	wrdreg s24  }
0xb0: {  	[dreg:$0x3] =	wrdreg s2  }
0xb1: {  	[dreg:$0x4] =	wrdreg s18  }
0xb2: {  	[dreg:$0x5] =	wrdreg $0x9  }
0xb3: {  	_ =	task.clear_ibuf [dreg:s8], $0x6FFFF;
	_ =	strace $0x90000046  }
0xb4: {  	s29 =	simm.s32 $0x9;
	_ =	strace $0x80000048  }
0xb5: {  	_ =	swait.ge [sflag:s29], $0x1  }
0xb6: {  	[sflag:s29] =	ssyncadd.s32 $0xFFFFFFFF  }
0xb7: {  	_ =	strace $0x90000048  }
0xb8: {  	_ =	sfence  }
0xb9: {  	s30 =	sld [smem:$0x0];
	_ =	sdelay $0x2  }
0xba: {  	s31 =	sshll.u32 s1, $0xD;
	s1 =	sshrl.u32 s1, $0x2  }
0xbb: {  	s3 =	sand.u32 $0x4000, s31;
	s1 =	sadd.s32 s1, s30  }
0xbc: {  	s0 =	sor.u32 s3, s0;
	s1 =	sshll.u32 s1, $0x11  }
0xbd: {  	s0 =	sor.u32 s1, s0  }
0xbe: {  	s0 =	sadd.s32 $0x8F2B, s0  }
0xbf: {  	[sflag:s0] =	ssyncadd.remote.s32 $0x1  }
0xc0: {  	_ =	sfence.sel $0xFFFF  }
0xc1: {  	[dreg:$0x0] =	wrdreg $0xFFFFFFFF;
	(pc) =	sbr.abs _section_cstart, $3  }
0xc2: {  	[dreg:$0x1] =	wrdreg $0xFFFFFFFF  }
0xc3: {  	_ =	task.clear_ibuf [dreg:s8], $0x2FFFF;
	_ =	strace $0x9FFFFFFF  }
0xc4: {  	(tm) =	ssettm $0x7FFFFFFF  }
0xc5: {  	_ =	shalt  }
tec
execute0_lowered:
.L_overlay_start_1:
0x0: {  	(tag) =	ssettag $0x1  }
0x1: {  	s5 =	rddreg [dreg:$0x0]  }
0x2: {  	s3 =	rddreg [dreg:$0x1]  }
0x3: {  	s14 =	rddreg [dreg:$0x2];
	s1 =	srdreg.scid  }
0x4: {  	s0 =	rddreg [dreg:$0x3];
	s15 =	sand.u32 $0x1, s1  }
0x5: {  	s2 =	simm.s32 $0x0;
	s1 =	stileid.u32;
	s4 =	sshll.u32 s15, $0x6  }
0x6: {  	[smem:$0x7FF] =	sst s2;
	s6 =	sshll.u32 s1, $0x7;
	s3 =	sadd.s32 s3, s4  }
0x7: {  	_ =	strace $0x80000047;
	s4 =	sadd.s32 s6, s3;
	s3 =	simm.s32 $0x2  }
0x8: {  	[tilespmem:s2], [sflag:$0x2] =	stream.linear.gather [hbm4b:s4+s2], $0x200, $0x38;
	[tilespmem:$0x10200] =	vst v63  }
0x9: {  	_ =	swait.ge [sflag:s3], $0x200  }
0xa: {  	s7 =	simm.s32 $0x200;
	[sflag:s3] =	ssyncset.done $0x0  }
0xb: {  	s5 =	sadd.s32 $0xC00, s5;
	s6 =	simm.s32 $0x80;
	[sflag:s3] =	ssyncadd.s32 $0xFFFFFE00  }
0xc: {  	[tilespmem:s7], [sflag:$0x1] =	stream.indirect.gather [hbm4b:s5+s6], $0x80, s2, s6, $0xb8;
	[tilespmem:$0x10200] =	vst v63  }
0xd: {  	s8 =	simm.s32 $0x4200  }
0xe: {  	[tilespmem:s8], [sflag:$0x1] =	stream.indirect.gather [hbm4b:s5+s6], $0x80, s6, s6, $0xb8;
	[tilespmem:$0x10200] =	vst v63  }
0xf: {  	s9 =	simm.s32 $0x100;
	s10 =	simm.s32 $0x8200  }
0x10: {  	[tilespmem:s10], [sflag:$0x1] =	stream.indirect.gather [hbm4b:s5+s6], $0x80, s9, s6, $0xb8;
	[tilespmem:$0x10200] =	vst v63  }
0x11: {  	s11 =	simm.s32 $0x180;
	s12 =	simm.s32 $0xC200;
	s13 =	simm.s32 $0x1  }
0x12: {  	[tilespmem:s12], [sflag:$0x1] =	stream.indirect.gather [hbm4b:s5+s6], $0x80, s11, s6, $0xb8;
	[tilespmem:$0x10200] =	vst v63  }
0x13: {  	_ =	swait.ge [sflag:s13], $0x4000  }
0x14: {  	[sflag:s13] =	ssyncset.done $0x0  }
0x15: {  	[sflag:s13] =	ssyncadd.s32 $0xFFFFC000  }
0x16: {  	_ =	swait.ge [sflag:s13], $0x4000  }
0x17: {  	[sflag:s13] =	ssyncset.done $0x0  }
0x18: {  	s16 =	ssub.s32 $0x2, s15;
	[sflag:s13] =	ssyncadd.s32 $0xFFFFC000  }
0x19: {  	s17 =	sshrl.u32 s16, $0x1;
	_ =	swait.ge [sflag:s13], $0x4000  }
0x1a: {  	s16 =	ssub.s32 s16, s17;
	[sflag:s13] =	ssyncset.done $0x0  }
0x1b: {  	s15 =	sshll.u32 s15, $0xD;
	s31 =	smax.u32 s16, $0x1;
	[sflag:s13] =	ssyncadd.s32 $0xFFFFC000  }
0x1c: {  	s30 =	sshll.u32 s1, $0xE;
	p0 =	sne.s32 s31, $0x1;
	_ =	swait.ge [sflag:s13], $0x4000  }
.Ltmp0:
0x1d: {  	s14 =	sadd.s32 s14, s15;
	[sflag:s13] =	ssyncset.done $0x0;
	(pc) =	sbr.rel @!p0 .LBB2_2-.Ltmp0, $4  }
0x1e: {  	s14 =	sadd.s32 s30, s14;
	[sflag:s13] =	ssyncadd.s32 $0xFFFFC000  }
0x1f: {  	[hbm4b:s14+s2] =	stream.linear.scatter [tilespmem:s7], [sflag:$0x2], $0x10000, $0x38;
	[tilespmem:$0x10200] =	vst v63  }
0x20: {  	_ =	swait.ge [sflag:s3], $0x10000  }
0x21: {  	s15 =	sadd.s32 $0xFFFFFFFF, s31;
	[sflag:s3] =	ssyncset.done $0x0  }
.LBB2_1:
0x22: {  	p0 =	sne.s32 s15, $0x1;
	s15 =	sadd.s32 $0xFFFFFFFF, s15;
	[sflag:s3] =	ssyncadd.s32 $0xFFFF0000  }
0x23: {  	[tilespmem:s2], [sflag:$0x2] =	stream.linear.gather [hbm4b:s4+s2], $0x200, $0x38;
	[tilespmem:$0x10200] =	vst v63  }
0x24: {  	_ =	swait.ge [sflag:s3], $0x200  }
0x25: {  	[sflag:s3] =	ssyncset.done $0x0  }
0x26: {  	[sflag:s3] =	ssyncadd.s32 $0xFFFFFE00  }
0x27: {  	[tilespmem:s7], [sflag:$0x1] =	stream.indirect.gather [hbm4b:s5+s6], $0x80, s2, s6, $0xb8;
	[tilespmem:$0x10200] =	vst v63  }
0x28: {  	_ = 	snop  }
0x29: {  	[tilespmem:s8], [sflag:$0x1] =	stream.indirect.gather [hbm4b:s5+s6], $0x80, s6, s6, $0xb8;
	[tilespmem:$0x10200] =	vst v63  }
0x2a: {  	_ = 	snop  }
0x2b: {  	[tilespmem:s10], [sflag:$0x1] =	stream.indirect.gather [hbm4b:s5+s6], $0x80, s9, s6, $0xb8;
	[tilespmem:$0x10200] =	vst v63  }
0x2c: {  	_ = 	snop  }
0x2d: {  	[tilespmem:s12], [sflag:$0x1] =	stream.indirect.gather [hbm4b:s5+s6], $0x80, s11, s6, $0xb8;
	[tilespmem:$0x10200] =	vst v63  }
0x2e: {  	_ =	swait.ge [sflag:s13], $0x4000  }
0x2f: {  	[sflag:s13] =	ssyncset.done $0x0  }
0x30: {  	[sflag:s13] =	ssyncadd.s32 $0xFFFFC000  }
0x31: {  	_ =	swait.ge [sflag:s13], $0x4000  }
0x32: {  	[sflag:s13] =	ssyncset.done $0x0  }
0x33: {  	[sflag:s13] =	ssyncadd.s32 $0xFFFFC000  }
0x34: {  	_ =	swait.ge [sflag:s13], $0x4000  }
0x35: {  	[sflag:s13] =	ssyncset.done $0x0  }
0x36: {  	[sflag:s13] =	ssyncadd.s32 $0xFFFFC000  }
0x37: {  	_ =	swait.ge [sflag:s13], $0x4000  }
.Ltmp1:
0x38: {  	[sflag:s13] =	ssyncset.done $0x0;
	(pc) =	sbr.rel @p0 .LBB2_1-.Ltmp1, $4  }
0x39: {  	[sflag:s13] =	ssyncadd.s32 $0xFFFFC000  }
0x3a: {  	[hbm4b:s14+s2] =	stream.linear.scatter [tilespmem:s7], [sflag:$0x2], $0x10000, $0x38;
	[tilespmem:$0x10200] =	vst v63  }
0x3b: {  	_ =	swait.ge [sflag:s3], $0x10000  }
0x3c: {  	[sflag:s3] =	ssyncset.done $0x0  }
.LBB2_2:
0x3d: {  	[sflag:s3] =	ssyncadd.s32 $0xFFFF0000  }
0x3e: {  	_ =	sfence.sel $0x180000  }
0x3f: {  	[bflag:$0x0] =	sbarrier.arrive $0xFFFF  }
0x40: {  	p0 =	sne.s32 s1, $0x0;
	_ =	strace $0x90000047  }
0x41: {  	s0 =	sadd.s32 @!p0 $0x100000, s0;
	[bflag:$0x2] =	sbarrier.arrive $0xFFFF  }
0x42: {  	[sflag:s0] =	ssyncadd.tile.s32 @!p0 $0x1;
	_ =	shalt  }
.Lfunc_end2:
_tile_overlayer_lowered:
.L_overlay_start_2:
0x43: {  	(tag) =	ssettag $0x2  }
0x44: {  	s0 =	rddreg [dreg:$0x0];
	s2 =	stileid.u32  }
0x45: {  	s1 =	rddreg [dreg:$0x1];
	p0 =	sne.s32 s2, $0x0  }
0x46: {  	s3 =	rddreg [dreg:$0x2];
	[bflag:$0x3] =	sbarrier.arrive $0xFFFF;
	s2 =	simm.s32 @!p0 $0x1C02  }
0x47: {  	[timem:s3], [sflag:s2] =	dma.local @!p0 [hbm:s0], s1  }
0x48: {  	s0 =	simm.s32 @!p0 $0x2  }
0x49: {  	_ =	swait.ge @!p0 [sflag:s0], s1  }
0x4a: {  	s1 =	ssub.s32 @!p0 $0x0, s1;
	[sflag:s0] =	ssyncset.done @!p0 $0x0  }
0x4b: {  	[sflag:s0] =	ssyncadd.s32 @!p0 s1  }
0x4c: {  	[bflag:$0x3] =	sbarrier.arrive $0xFFFF  }
0x4d: {  	_ =	shalt  }

</sc_bundles>
